<compile_context>
chip_gen: v7x
topology: tpu7x:2x2x1
jax: 0.10.2.dev20260603
libtpu: 0.0.44.dev20260713+nightly
codegen_flags: <defaults>
</compile_context>

<pallas_src>
import functools

import jax
import jax.numpy as jnp
from jax import lax
from jax.experimental import pallas as pl
from jax.experimental.pallas import tpu as pltpu
from jax.experimental.pallas import tpu_sc as plsc

N = 10000
E = 320000
D = 128
NC = 2
NS = 16
NW = NC * NS
NP = 10240
RPT = NP // NS
EPW = E // NW
C = 80
CHUNKS = EPW // C


def _sc_degree(row):
    mesh = plsc.VectorSubcoreMesh(core_axis_name="c", subcore_axis_name="s")

    @functools.partial(
        pl.kernel,
        mesh=mesh,
        out_type=jax.ShapeDtypeStruct((NC, NP), jnp.float32),
        scratch_types=[
            pltpu.VMEM((C,), jnp.int32),
            pltpu.VMEM((C,), jnp.float32),
            pltpu.VMEM((RPT,), jnp.float32),
            pltpu.VMEM_SHARED((NP,), jnp.float32),
        ],
    )
    def deg_kernel(row_hbm, out_hbm, idx_v, ones_v, zero_v, deg_sh):
        cid = lax.axis_index("c")
        sid = lax.axis_index("s")
        wid = sid * NC + cid

        def fill_z(i, carry):
            zero_v[pl.ds(i * 16, 16)] = jnp.zeros((16,), jnp.float32)
            return carry

        lax.fori_loop(0, RPT // 16, fill_z, 0)

        def fill_o(i, carry):
            ones_v[pl.ds(i * 16, 16)] = jnp.ones((16,), jnp.float32)
            return carry

        lax.fori_loop(0, C // 16, fill_o, 0)

        pltpu.sync_copy(zero_v, deg_sh.at[pl.ds(sid * RPT, RPT)])
        plsc.subcore_barrier()

        base0 = wid * EPW

        def body(j, carry):
            base = pl.multiple_of(base0 + j * C, 8)
            pltpu.sync_copy(row_hbm.at[pl.ds(base, C)], idx_v)
            pltpu.sync_copy(ones_v, deg_sh.at[idx_v], add=True)
            return carry

        lax.fori_loop(0, CHUNKS, body, 0)

        plsc.subcore_barrier()
        pltpu.sync_copy(deg_sh.at[pl.ds(sid * RPT, RPT)],
                        out_hbm.at[cid, pl.ds(sid * RPT, RPT)])

    return deg_kernel(row)


def _tc_scale(degT, x):
    def body(deg_ref, x_ref, xs_ref):
        d = deg_ref[:, 0:1] + deg_ref[:, 1:2]
        dc = lax.rsqrt(jnp.maximum(d, 1.0))[:N]
        xs_ref[...] = x_ref[...] * dc

    return pl.pallas_call(
        body,
        out_shape=jax.ShapeDtypeStruct((N, D), jnp.float32),
    )(degT, x)


def _sc_scatter(col, row, xs):
    mesh = plsc.VectorSubcoreMesh(core_axis_name="c", subcore_axis_name="s")

    @functools.partial(
        pl.kernel,
        mesh=mesh,
        out_type=jax.ShapeDtypeStruct((NC, NP, D), jnp.float32),
        scratch_types=[
            pltpu.VMEM((C,), jnp.int32),
            pltpu.VMEM((C,), jnp.int32),
            pltpu.VMEM((C, D), jnp.float32),
            pltpu.VMEM((C, D), jnp.float32),
            pltpu.VMEM_SHARED((NP, D), jnp.float32),
            pltpu.SemaphoreType.DMA,
        ],
    )
    def scat_kernel(col_hbm, row_hbm, xs_hbm, out_hbm,
                    colv, rowv, gbuf, zbuf, acc_sh, sem):
        cid = lax.axis_index("c")
        sid = lax.axis_index("s")
        wid = sid * NC + cid

        def fill_z(r, carry):
            for k in range(D // 16):
                zbuf[r, pl.ds(k * 16, 16)] = jnp.zeros((16,), jnp.float32)
            return carry

        lax.fori_loop(0, C, fill_z, 0)

        def zslice(z, carry):
            pltpu.sync_copy(zbuf, acc_sh.at[pl.ds(sid * RPT + z * C, C)])
            return carry

        lax.fori_loop(0, RPT // C, zslice, 0)
        plsc.subcore_barrier()

        base0 = wid * EPW

        def body(j, carry):
            base = pl.multiple_of(base0 + j * C, 8)
            pltpu.sync_copy(col_hbm.at[pl.ds(base, C)], colv)
            pltpu.sync_copy(row_hbm.at[pl.ds(base, C)], rowv)
            pltpu.async_copy(xs_hbm.at[colv], gbuf, sem).wait()
            pltpu.sync_copy(gbuf, acc_sh.at[rowv], add=True)
            return carry

        lax.fori_loop(0, CHUNKS, body, 0)

        plsc.subcore_barrier()

        def wout(z, carry):
            off = sid * RPT + z * C
            pltpu.sync_copy(acc_sh.at[pl.ds(off, C)],
                            out_hbm.at[cid, pl.ds(off, C)])
            return carry

        lax.fori_loop(0, RPT // C, wout, 0)

    return scat_kernel(col, row, xs)


def _tc_out(degT, acc_parts, W, b):
    def body(deg_ref, acc_ref, w_ref, b_ref, o_ref):
        d = deg_ref[:, 0:1] + deg_ref[:, 1:2]
        dr = lax.rsqrt(jnp.maximum(d, 1.0))[:N]
        acc = acc_ref[0, :N, :] + acc_ref[1, :N, :]
        a = acc * dr
        y = lax.dot_general(a, w_ref[...], (((1,), (1,)), ((), ())),
                            preferred_element_type=jnp.float32)
        o_ref[...] = y + b_ref[...][None, :]

    return pl.pallas_call(
        body,
        out_shape=jax.ShapeDtypeStruct((N, D), jnp.float32),
    )(degT, acc_parts, W, b)


def kernel(x, edge_index, W, b):
    row = edge_index[0]
    col = edge_index[1]
    deg_parts = _sc_degree(row)
    degT = deg_parts.T
    xs = _tc_scale(degT, x)
    acc_parts = _sc_scatter(col, row, xs)
    return _tc_out(degT, acc_parts, W, b)

# --- scband reference (transcript-rebuilt; emitter-appended) ---
"""Pipeline reference for scband-gcnlayer-5085241279101 (READ-ONLY COPY).

The authoritative reference and input builder live on the scoring server;
editing this copy changes nothing except your own understanding.
"""

import jax, jax.numpy as jnp
import numpy as np

N_NODES = 10000
N_EDGES = 320000
D = 128


def setup_inputs(seed: int = 0) -> dict:
    key = jax.random.key(seed)
    k1, k2, k3, k4 = jax.random.split(key, 4)
    x = jax.random.normal(k1, (N_NODES, D), dtype=jnp.float32)
    edge_index = jax.random.randint(k2, (2, N_EDGES), 0, N_NODES, dtype=jnp.int32)
    # nn.Linear(in_dim, out_dim) parameters: W [out_dim, in_dim], b [out_dim]
    bound = 1.0 / np.sqrt(D)
    W = jax.random.uniform(k3, (D, D), dtype=jnp.float32, minval=-bound, maxval=bound)
    b = jax.random.uniform(k4, (D,), dtype=jnp.float32, minval=-bound, maxval=bound)
    return {"x": x, "edge_index": edge_index, "W": W, "b": b}


def reference(x, edge_index, W, b):
    row = edge_index[0]
    col = edge_index[1]
    # deg = bincount(row, minlength=N).float().clamp(min=1)
    deg = jnp.bincount(row, length=x.shape[0]).astype(jnp.float32)
    deg = jnp.clip(deg, 1.0, None)
    # norm = 1 / sqrt(deg[row]) / sqrt(deg[col])
    norm = 1.0 / jnp.sqrt(deg[row]) / jnp.sqrt(deg[col])
    # out = zeros_like(x); out.index_add_(0, row, x[col] * norm[:, None])
    gathered = x[col] * norm[:, None]
    out = jnp.zeros_like(x).at[row].add(gathered)
    # linear
    return out @ W.T + b

if __name__ == "__main__":
    import jax
    _d = setup_inputs()
    print(jax.jit(kernel)(*tuple(_d.values())))

</pallas_src>

<mosaic_0001>
#map = affine_map<(d0, d1) -> (0)>
#map1 = affine_map<(d0, d1) -> (0, 0)>
module attributes {stable_mosaic.version = 14 : i64} {
  func.func @deg_kernel(%arg0: i32, %arg1: i32, %arg2: memref<320000xi32, #tpu.memory_space<hbm>>, %arg3: memref<2x10240xf32, #tpu.memory_space<hbm>>, %arg4: memref<80xi32, #tpu.memory_space<vmem>>, %arg5: memref<80xf32, #tpu.memory_space<vmem>>, %arg6: memref<640xf32, #tpu.memory_space<vmem>>, %arg7: memref<10240xf32, #tpu.memory_space<vmem_shared>>) attributes {dimension_semantics = [#tpu.dimension_semantics<core_parallel>, #tpu.dimension_semantics<subcore_parallel>], iteration_bounds = array<i64: 2, 16>, scalar_prefetch = 0 : i64, scratch_operands = 4 : i64, tpu.core_type = #tpu.core_type<sc_vector_subcore>, window_params = [{transform_indices = #map}, {transform_indices = #map1}]} {
    %mul3A = arith.constant 2 : i32
    %mul3A_0 = arith.muli %arg1, %mul3A : i32
    %add3A = arith.addi %mul3A_0, %arg0 : i32
    %scan3A = arith.constant 0 : i32
    %scan3A_1 = arith.constant 0 : i32
    %scan3A_2 = arith.constant 40 : i32
    %scan3A_3 = arith.addi %scan3A_1, %scan3A_2 : i32
    %scan3A_4 = arith.constant 1 : i32
    scf.for %scan3A_27 = %scan3A_1 to %scan3A_3 step %scan3A_4  : i32 {
      %broadcast_in_dim3A = arith.constant 0.000000e+00 : f32
      %broadcast_in_dim3A_28 = vector.broadcast %broadcast_in_dim3A : f32 to vector<16xf32>
      %mul3A_29 = arith.constant 16 : i32
      %mul3A_30 = arith.muli %scan3A_27, %mul3A_29 : i32
      %swap3A = arith.index_cast %mul3A_30 : i32 to index
      %swap3A_31 = tpu.vector_load %arg6[%swap3A] {strides = array<i32>} : memref<640xf32, #tpu.memory_space<vmem>>, vector<16xf32>,
      %swap3A_32 = vector.shape_cast %swap3A_31 : vector<16xf32> to vector<16xf32>
      %swap3A_33 = vector.shape_cast %broadcast_in_dim3A_28 : vector<16xf32> to vector<16xf32>
      tpu.vector_store %arg6[%swap3A], %swap3A_33 {strides = array<i32>} : memref<640xf32, #tpu.memory_space<vmem>>, vector<16xf32>,
    }
    %scan3A_5 = arith.constant 40 : i32
    %scan3A_6 = arith.constant 0 : i32
    %scan3A_7 = arith.constant 0 : i32
    %scan3A_8 = arith.constant 5 : i32
    %scan3A_9 = arith.addi %scan3A_7, %scan3A_8 : i32
    %scan3A_10 = arith.constant 1 : i32
    scf.for %scan3A_27 = %scan3A_7 to %scan3A_9 step %scan3A_10  : i32 {
      %broadcast_in_dim3A = arith.constant 1.000000e+00 : f32
      %broadcast_in_dim3A_28 = vector.broadcast %broadcast_in_dim3A : f32 to vector<16xf32>
      %mul3A_29 = arith.constant 16 : i32
      %mul3A_30 = arith.muli %scan3A_27, %mul3A_29 : i32
      %swap3A = arith.index_cast %mul3A_30 : i32 to index
      %swap3A_31 = tpu.vector_load %arg5[%swap3A] {strides = array<i32>} : memref<80xf32, #tpu.memory_space<vmem>>, vector<16xf32>,
      %swap3A_32 = vector.shape_cast %swap3A_31 : vector<16xf32> to vector<16xf32>
      %swap3A_33 = vector.shape_cast %broadcast_in_dim3A_28 : vector<16xf32> to vector<16xf32>
      tpu.vector_store %arg5[%swap3A], %swap3A_33 {strides = array<i32>} : memref<80xf32, #tpu.memory_space<vmem>>, vector<16xf32>,
    }
    %scan3A_11 = arith.constant 5 : i32
    %mul3A_12 = arith.constant 640 : i32
    %mul3A_13 = arith.muli %arg1, %mul3A_12 : i32
    "tpu.region"() ({
      %run_scoped3A = tpu.sem_alloc : memref<!tpu.dma_semaphore, #tpu.memory_space<semaphore_mem>>
      %dma_start3A = tpu.memref_slice %arg7[%mul3A_13] : memref<10240xf32, #tpu.memory_space<vmem_shared>> -> memref<640xf32, #tpu.memory_space<vmem_shared>>
      %dma_start3A_27 = tpu.memref_slice %arg7[%mul3A_13] : memref<10240xf32, #tpu.memory_space<vmem_shared>> -> memref<640xf32, #tpu.memory_space<vmem_shared>>
      tpu.enqueue_dma source(%arg6 : memref<640xf32, #tpu.memory_space<vmem>>) target(%dma_start3A_27 : memref<640xf32, #tpu.memory_space<vmem_shared>>) target_semaphore(%run_scoped3A : memref<!tpu.dma_semaphore, #tpu.memory_space<semaphore_mem>>)
      %dma_wait3A = tpu.memref_slice %arg7[%mul3A_13] : memref<10240xf32, #tpu.memory_space<vmem_shared>> -> memref<640xf32, #tpu.memory_space<vmem_shared>>
      %dma_wait3A_28 = tpu.memref_slice %arg7[%mul3A_13] : memref<10240xf32, #tpu.memory_space<vmem_shared>> -> memref<640xf32, #tpu.memory_space<vmem_shared>>
      tpu.wait_dma2 semaphore(%run_scoped3A : memref<!tpu.dma_semaphore, #tpu.memory_space<semaphore_mem>>) src(%arg6 : memref<640xf32, #tpu.memory_space<vmem>>) dst(%dma_wait3A_28 : memref<640xf32, #tpu.memory_space<vmem_shared>>)
      tpu.yield
    }) : () -> ()
    %barrier3A = arith.constant 0 : index
    tpu.barrier barrier_id(%barrier3A)
    %mul3A_14 = arith.constant 10000 : i32
    %mul3A_15 = arith.muli %add3A, %mul3A_14 : i32
    %scan3A_16 = arith.constant 0 : i32
    %scan3A_17 = arith.constant 0 : i32
    %scan3A_18 = arith.constant 125 : i32
    %scan3A_19 = arith.addi %scan3A_17, %scan3A_18 : i32
    %scan3A_20 = arith.constant 1 : i32
    scf.for %scan3A_27 = %scan3A_17 to %scan3A_19 step %scan3A_20  : i32 {
      %mul3A_28 = arith.constant 80 : i32
      %mul3A_29 = arith.muli %scan3A_27, %mul3A_28 : i32
      %add3A_30 = arith.addi %mul3A_15, %mul3A_29 : i32
      %multiple_of3A = tpu.assume_multiple %add3A_30, 8 : i32
      "tpu.region"() ({
        %run_scoped3A = tpu.sem_alloc : memref<!tpu.dma_semaphore, #tpu.memory_space<semaphore_mem>>
        %dma_start3A = tpu.memref_slice %arg2[%multiple_of3A] : memref<320000xi32, #tpu.memory_space<hbm>> -> memref<80xi32, #tpu.memory_space<hbm>>
        %dma_start3A_31 = tpu.memref_slice %arg2[%multiple_of3A] : memref<320000xi32, #tpu.memory_space<hbm>> -> memref<80xi32, #tpu.memory_space<hbm>>
        tpu.enqueue_dma source(%dma_start3A_31 : memref<80xi32, #tpu.memory_space<hbm>>) target(%arg4 : memref<80xi32, #tpu.memory_space<vmem>>) target_semaphore(%run_scoped3A : memref<!tpu.dma_semaphore, #tpu.memory_space<semaphore_mem>>)
        %dma_wait3A = tpu.memref_slice %arg2[%multiple_of3A] : memref<320000xi32, #tpu.memory_space<hbm>> -> memref<80xi32, #tpu.memory_space<hbm>>
        %dma_wait3A_32 = tpu.memref_slice %arg2[%multiple_of3A] : memref<320000xi32, #tpu.memory_space<hbm>> -> memref<80xi32, #tpu.memory_space<hbm>>
        tpu.wait_dma2 semaphore(%run_scoped3A : memref<!tpu.dma_semaphore, #tpu.memory_space<semaphore_mem>>) src(%dma_wait3A_32 : memref<80xi32, #tpu.memory_space<hbm>>) dst(%arg4 : memref<80xi32, #tpu.memory_space<vmem>>)
        tpu.yield
      }) : () -> ()
      "tpu.region"() ({
        %run_scoped3A = tpu.sem_alloc : memref<!tpu.dma_semaphore, #tpu.memory_space<semaphore_mem>>
        %dma_start3A = arith.constant 0 : i32
        %dma_start3A_31 = tpu.memref_slice %arg7[%dma_start3A] : memref<10240xf32, #tpu.memory_space<vmem_shared>> -> memref<10240xf32, #tpu.memory_space<vmem_shared>>
        tpu.enqueue_indirect_dma source(%arg5 : memref<80xf32, #tpu.memory_space<vmem>>) target(%dma_start3A_31 : memref<10240xf32, #tpu.memory_space<vmem_shared>>) offsets(%arg4 : memref<80xi32, #tpu.memory_space<vmem>>) semaphore(%run_scoped3A : memref<!tpu.dma_semaphore, #tpu.memory_space<semaphore_mem>>) {add = true}
        %dma_wait3A = arith.constant 0 : i32
        %dma_wait3A_32 = tpu.memref_slice %arg7[%dma_wait3A] : memref<10240xf32, #tpu.memory_space<vmem_shared>> -> memref<10240xf32, #tpu.memory_space<vmem_shared>>
        tpu.wait_indirect_dma semaphore(%run_scoped3A : memref<!tpu.dma_semaphore, #tpu.memory_space<semaphore_mem>>) src(%arg5 : memref<80xf32, #tpu.memory_space<vmem>>) dst(%dma_wait3A_32 : memref<10240xf32, #tpu.memory_space<vmem_shared>>)
        tpu.yield
      }) : () -> ()
    }
    %scan3A_21 = arith.constant 125 : i32
    %barrier3A_22 = arith.constant 0 : index
    tpu.barrier barrier_id(%barrier3A_22)
    %mul3A_23 = arith.constant 640 : i32
    %mul3A_24 = arith.muli %arg1, %mul3A_23 : i32
    %mul3A_25 = arith.constant 640 : i32
    %mul3A_26 = arith.muli %arg1, %mul3A_25 : i32
    "tpu.region"() ({
      %run_scoped3A = tpu.sem_alloc : memref<!tpu.dma_semaphore, #tpu.memory_space<semaphore_mem>>
      %dma_start3A = tpu.memref_slice %arg3[%arg0, %mul3A_26] : memref<2x10240xf32, #tpu.memory_space<hbm>> -> memref<1x640xf32, #tpu.memory_space<hbm>>
      %dma_start3A_27 = tpu.memref_squeeze %dma_start3A : memref<1x640xf32, #tpu.memory_space<hbm>> -> memref<640xf32, #tpu.memory_space<hbm>>
      %dma_start3A_28 = tpu.memref_slice %arg7[%mul3A_24] : memref<10240xf32, #tpu.memory_space<vmem_shared>> -> memref<640xf32, #tpu.memory_space<vmem_shared>>
      tpu.enqueue_dma source(%dma_start3A_28 : memref<640xf32, #tpu.memory_space<vmem_shared>>) target(%dma_start3A_27 : memref<640xf32, #tpu.memory_space<hbm>>) target_semaphore(%run_scoped3A : memref<!tpu.dma_semaphore, #tpu.memory_space<semaphore_mem>>)
      %dma_wait3A = tpu.memref_slice %arg3[%arg0, %mul3A_26] : memref<2x10240xf32, #tpu.memory_space<hbm>> -> memref<1x640xf32, #tpu.memory_space<hbm>>
      %dma_wait3A_29 = tpu.memref_squeeze %dma_wait3A : memref<1x640xf32, #tpu.memory_space<hbm>> -> memref<640xf32, #tpu.memory_space<hbm>>
      %dma_wait3A_30 = tpu.memref_slice %arg7[%mul3A_24] : memref<10240xf32, #tpu.memory_space<vmem_shared>> -> memref<640xf32, #tpu.memory_space<vmem_shared>>
      tpu.wait_dma2 semaphore(%run_scoped3A : memref<!tpu.dma_semaphore, #tpu.memory_space<semaphore_mem>>) src(%dma_wait3A_30 : memref<640xf32, #tpu.memory_space<vmem_shared>>) dst(%dma_wait3A_29 : memref<640xf32, #tpu.memory_space<hbm>>)
      tpu.yield
    }) : () -> ()
    return
  }
}

#map = affine_map<(d0, d1) -> (0)>
#map1 = affine_map<(d0, d1) -> (0, 0)>
#map2 = affine_map<(d0, d1) -> (0, 0, 0)>
module attributes {stable_mosaic.version = 14 : i64} {
  func.func @scat_kernel(%arg0: i32, %arg1: i32, %arg2: memref<320000xi32, #tpu.memory_space<hbm>>, %arg3: memref<320000xi32, #tpu.memory_space<hbm>>, %arg4: memref<10000x128xf32, #tpu.memory_space<hbm>>, %arg5: memref<2x10240x128xf32, #tpu.memory_space<hbm>>, %arg6: memref<80xi32, #tpu.memory_space<vmem>>, %arg7: memref<80xi32, #tpu.memory_space<vmem>>, %arg8: memref<80x128xf32, #tpu.memory_space<vmem>>, %arg9: memref<80x128xf32, #tpu.memory_space<vmem>>, %arg10: memref<10240x128xf32, #tpu.memory_space<vmem_shared>>, %arg11: memref<!tpu.dma_semaphore, #tpu.memory_space<semaphore_mem>>) attributes {dimension_semantics = [#tpu.dimension_semantics<core_parallel>, #tpu.dimension_semantics<subcore_parallel>], iteration_bounds = array<i64: 2, 16>, scalar_prefetch = 0 : i64, scratch_operands = 6 : i64, tpu.core_type = #tpu.core_type<sc_vector_subcore>, window_params = [{transform_indices = #map}, {transform_indices = #map}, {transform_indices = #map1}, {transform_indices = #map2}]} {
    %mul3A = arith.constant 2 : i32
    %mul3A_0 = arith.muli %arg1, %mul3A : i32
    %add3A = arith.addi %mul3A_0, %arg0 : i32
    %scan3A = arith.constant 0 : i32
    %scan3A_1 = arith.constant 0 : i32
    %scan3A_2 = arith.constant 80 : i32
    %scan3A_3 = arith.addi %scan3A_1, %scan3A_2 : i32
    %scan3A_4 = arith.constant 1 : i32
    scf.for %scan3A_27 = %scan3A_1 to %scan3A_3 step %scan3A_4  : i32 {
      %broadcast_in_dim3A = arith.constant 0.000000e+00 : f32
      %broadcast_in_dim3A_28 = vector.broadcast %broadcast_in_dim3A : f32 to vector<16xf32>
      %swap3A = arith.index_cast %scan3A_27 : i32 to index
      %swap3A_29 = arith.constant 0 : index
      %swap3A_30 = tpu.vector_load %arg9[%swap3A, %swap3A_29] {strides = array<i32>} : memref<80x128xf32, #tpu.memory_space<vmem>>, vector<1x16xf32>,
      %swap3A_31 = vector.shape_cast %swap3A_30 : vector<1x16xf32> to vector<16xf32>
      %swap3A_32 = vector.shape_cast %broadcast_in_dim3A_28 : vector<16xf32> to vector<1x16xf32>
      tpu.vector_store %arg9[%swap3A, %swap3A_29], %swap3A_32 {strides = array<i32>} : memref<80x128xf32, #tpu.memory_space<vmem>>, vector<1x16xf32>,
      %broadcast_in_dim3A_33 = arith.constant 0.000000e+00 : f32
      %broadcast_in_dim3A_34 = vector.broadcast %broadcast_in_dim3A_33 : f32 to vector<16xf32>
      %swap3A_35 = arith.index_cast %scan3A_27 : i32 to index
      %swap3A_36 = arith.constant 16 : index
      %swap3A_37 = tpu.vector_load %arg9[%swap3A_35, %swap3A_36] {strides = array<i32>} : memref<80x128xf32, #tpu.memory_space<vmem>>, vector<1x16xf32>,
      %swap3A_38 = vector.shape_cast %swap3A_37 : vector<1x16xf32> to vector<16xf32>
      %swap3A_39 = vector.shape_cast %broadcast_in_dim3A_34 : vector<16xf32> to vector<1x16xf32>
      tpu.vector_store %arg9[%swap3A_35, %swap3A_36], %swap3A_39 {strides = array<i32>} : memref<80x128xf32, #tpu.memory_space<vmem>>, vector<1x16xf32>,
      %broadcast_in_dim3A_40 = arith.constant 0.000000e+00 : f32
      %broadcast_in_dim3A_41 = vector.broadcast %broadcast_in_dim3A_40 : f32 to vector<16xf32>
      %swap3A_42 = arith.index_cast %scan3A_27 : i32 to index
      %swap3A_43 = arith.constant 32 : index
      %swap3A_44 = tpu.vector_load %arg9[%swap3A_42, %swap3A_43] {strides = array<i32>} : memref<80x128xf32, #tpu.memory_space<vmem>>, vector<1x16xf32>,
      %swap3A_45 = vector.shape_cast %swap3A_44 : vector<1x16xf32> to vector<16xf32>
      %swap3A_46 = vector.shape_cast %broadcast_in_dim3A_41 : vector<16xf32> to vector<1x16xf32>
      tpu.vector_store %arg9[%swap3A_42, %swap3A_43], %swap3A_46 {strides = array<i32>} : memref<80x128xf32, #tpu.memory_space<vmem>>, vector<1x16xf32>,
      %broadcast_in_dim3A_47 = arith.constant 0.000000e+00 : f32
      %broadcast_in_dim3A_48 = vector.broadcast %broadcast_in_dim3A_47 : f32 to vector<16xf32>
      %swap3A_49 = arith.index_cast %scan3A_27 : i32 to index
      %swap3A_50 = arith.constant 48 : index
      %swap3A_51 = tpu.vector_load %arg9[%swap3A_49, %swap3A_50] {strides = array<i32>} : memref<80x128xf32, #tpu.memory_space<vmem>>, vector<1x16xf32>,
      %swap3A_52 = vector.shape_cast %swap3A_51 : vector<1x16xf32> to vector<16xf32>
      %swap3A_53 = vector.shape_cast %broadcast_in_dim3A_48 : vector<16xf32> to vector<1x16xf32>
      tpu.vector_store %arg9[%swap3A_49, %swap3A_50], %swap3A_53 {strides = array<i32>} : memref<80x128xf32, #tpu.memory_space<vmem>>, vector<1x16xf32>,
      %broadcast_in_dim3A_54 = arith.constant 0.000000e+00 : f32
      %broadcast_in_dim3A_55 = vector.broadcast %broadcast_in_dim3A_54 : f32 to vector<16xf32>
      %swap3A_56 = arith.index_cast %scan3A_27 : i32 to index
      %swap3A_57 = arith.constant 64 : index
      %swap3A_58 = tpu.vector_load %arg9[%swap3A_56, %swap3A_57] {strides = array<i32>} : memref<80x128xf32, #tpu.memory_space<vmem>>, vector<1x16xf32>,
      %swap3A_59 = vector.shape_cast %swap3A_58 : vector<1x16xf32> to vector<16xf32>
      %swap3A_60 = vector.shape_cast %broadcast_in_dim3A_55 : vector<16xf32> to vector<1x16xf32>
      tpu.vector_store %arg9[%swap3A_56, %swap3A_57], %swap3A_60 {strides = array<i32>} : memref<80x128xf32, #tpu.memory_space<vmem>>, vector<1x16xf32>,
      %broadcast_in_dim3A_61 = arith.constant 0.000000e+00 : f32
      %broadcast_in_dim3A_62 = vector.broadcast %broadcast_in_dim3A_61 : f32 to vector<16xf32>
      %swap3A_63 = arith.index_cast %scan3A_27 : i32 to index
      %swap3A_64 = arith.constant 80 : index
      %swap3A_65 = tpu.vector_load %arg9[%swap3A_63, %swap3A_64] {strides = array<i32>} : memref<80x128xf32, #tpu.memory_space<vmem>>, vector<1x16xf32>,
      %swap3A_66 = vector.shape_cast %swap3A_65 : vector<1x16xf32> to vector<16xf32>
      %swap3A_67 = vector.shape_cast %broadcast_in_dim3A_62 : vector<16xf32> to vector<1x16xf32>
      tpu.vector_store %arg9[%swap3A_63, %swap3A_64], %swap3A_67 {strides = array<i32>} : memref<80x128xf32, #tpu.memory_space<vmem>>, vector<1x16xf32>,
      %broadcast_in_dim3A_68 = arith.constant 0.000000e+00 : f32
      %broadcast_in_dim3A_69 = vector.broadcast %broadcast_in_dim3A_68 : f32 to vector<16xf32>
      %swap3A_70 = arith.index_cast %scan3A_27 : i32 to index
      %swap3A_71 = arith.constant 96 : index
      %swap3A_72 = tpu.vector_load %arg9[%swap3A_70, %swap3A_71] {strides = array<i32>} : memref<80x128xf32, #tpu.memory_space<vmem>>, vector<1x16xf32>,
      %swap3A_73 = vector.shape_cast %swap3A_72 : vector<1x16xf32> to vector<16xf32>
      %swap3A_74 = vector.shape_cast %broadcast_in_dim3A_69 : vector<16xf32> to vector<1x16xf32>
      tpu.vector_store %arg9[%swap3A_70, %swap3A_71], %swap3A_74 {strides = array<i32>} : memref<80x128xf32, #tpu.memory_space<vmem>>, vector<1x16xf32>,
      %broadcast_in_dim3A_75 = arith.constant 0.000000e+00 : f32
      %broadcast_in_dim3A_76 = vector.broadcast %broadcast_in_dim3A_75 : f32 to vector<16xf32>
      %swap3A_77 = arith.index_cast %scan3A_27 : i32 to index
      %swap3A_78 = arith.constant 112 : index
      %swap3A_79 = tpu.vector_load %arg9[%swap3A_77, %swap3A_78] {strides = array<i32>} : memref<80x128xf32, #tpu.memory_space<vmem>>, vector<1x16xf32>,
      %swap3A_80 = vector.shape_cast %swap3A_79 : vector<1x16xf32> to vector<16xf32>
      %swap3A_81 = vector.shape_cast %broadcast_in_dim3A_76 : vector<16xf32> to vector<1x16xf32>
      tpu.vector_store %arg9[%swap3A_77, %swap3A_78], %swap3A_81 {strides = array<i32>} : memref<80x128xf32, #tpu.memory_space<vmem>>, vector<1x16xf32>,
    }
    %scan3A_5 = arith.constant 80 : i32
    %scan3A_6 = arith.constant 0 : i32
    %scan3A_7 = arith.constant 0 : i32
    %scan3A_8 = arith.constant 8 : i32
    %scan3A_9 = arith.addi %scan3A_7, %scan3A_8 : i32
    %scan3A_10 = arith.constant 1 : i32
    scf.for %scan3A_27 = %scan3A_7 to %scan3A_9 step %scan3A_10  : i32 {
      %mul3A_28 = arith.constant 640 : i32
      %mul3A_29 = arith.muli %arg1, %mul3A_28 : i32
      %mul3A_30 = arith.constant 80 : i32
      %mul3A_31 = arith.muli %scan3A_27, %mul3A_30 : i32
      %add3A_32 = arith.addi %mul3A_29, %mul3A_31 : i32
      "tpu.region"() ({
        %run_scoped3A = tpu.sem_alloc : memref<!tpu.dma_semaphore, #tpu.memory_space<semaphore_mem>>
        %dma_start3A = arith.constant 0 : i32
        %dma_start3A_33 = tpu.memref_slice %arg10[%add3A_32, %dma_start3A] : memref<10240x128xf32, #tpu.memory_space<vmem_shared>> -> memref<80x128xf32, #tpu.memory_space<vmem_shared>>
        %dma_start3A_34 = arith.constant 0 : i32
        %dma_start3A_35 = tpu.memref_slice %arg10[%add3A_32, %dma_start3A_34] : memref<10240x128xf32, #tpu.memory_space<vmem_shared>> -> memref<80x128xf32, #tpu.memory_space<vmem_shared>>
        tpu.enqueue_dma source(%arg9 : memref<80x128xf32, #tpu.memory_space<vmem>>) target(%dma_start3A_35 : memref<80x128xf32, #tpu.memory_space<vmem_shared>>) target_semaphore(%run_scoped3A : memref<!tpu.dma_semaphore, #tpu.memory_space<semaphore_mem>>)
        %dma_wait3A = arith.constant 0 : i32
        %dma_wait3A_36 = tpu.memref_slice %arg10[%add3A_32, %dma_wait3A] : memref<10240x128xf32, #tpu.memory_space<vmem_shared>> -> memref<80x128xf32, #tpu.memory_space<vmem_shared>>
        %dma_wait3A_37 = arith.constant 0 : i32
        %dma_wait3A_38 = tpu.memref_slice %arg10[%add3A_32, %dma_wait3A_37] : memref<10240x128xf32, #tpu.memory_space<vmem_shared>> -> memref<80x128xf32, #tpu.memory_space<vmem_shared>>
        tpu.wait_dma2 semaphore(%run_scoped3A : memref<!tpu.dma_semaphore, #tpu.memory_space<semaphore_mem>>) src(%arg9 : memref<80x128xf32, #tpu.memory_space<vmem>>) dst(%dma_wait3A_38 : memref<80x128xf32, #tpu.memory_space<vmem_shared>>)
        tpu.yield
      }) : () -> ()
    }
    %scan3A_11 = arith.constant 8 : i32
    %barrier3A = arith.constant 0 : index
    tpu.barrier barrier_id(%barrier3A)
    %mul3A_12 = arith.constant 10000 : i32
    %mul3A_13 = arith.muli %add3A, %mul3A_12 : i32
    %scan3A_14 = arith.constant 0 : i32
    %scan3A_15 = arith.constant 0 : i32
    %scan3A_16 = arith.constant 125 : i32
    %scan3A_17 = arith.addi %scan3A_15, %scan3A_16 : i32
    %scan3A_18 = arith.constant 1 : i32
    scf.for %scan3A_27 = %scan3A_15 to %scan3A_17 step %scan3A_18  : i32 {
      %mul3A_28 = arith.constant 80 : i32
      %mul3A_29 = arith.muli %scan3A_27, %mul3A_28 : i32
      %add3A_30 = arith.addi %mul3A_13, %mul3A_29 : i32
      %multiple_of3A = tpu.assume_multiple %add3A_30, 8 : i32
      "tpu.region"() ({
        %run_scoped3A = tpu.sem_alloc : memref<!tpu.dma_semaphore, #tpu.memory_space<semaphore_mem>>
        %dma_start3A_35 = tpu.memref_slice %arg2[%multiple_of3A] : memref<320000xi32, #tpu.memory_space<hbm>> -> memref<80xi32, #tpu.memory_space<hbm>>
        %dma_start3A_36 = tpu.memref_slice %arg2[%multiple_of3A] : memref<320000xi32, #tpu.memory_space<hbm>> -> memref<80xi32, #tpu.memory_space<hbm>>
        tpu.enqueue_dma source(%dma_start3A_36 : memref<80xi32, #tpu.memory_space<hbm>>) target(%arg6 : memref<80xi32, #tpu.memory_space<vmem>>) target_semaphore(%run_scoped3A : memref<!tpu.dma_semaphore, #tpu.memory_space<semaphore_mem>>)
        %dma_wait3A_37 = tpu.memref_slice %arg2[%multiple_of3A] : memref<320000xi32, #tpu.memory_space<hbm>> -> memref<80xi32, #tpu.memory_space<hbm>>
        %dma_wait3A_38 = tpu.memref_slice %arg2[%multiple_of3A] : memref<320000xi32, #tpu.memory_space<hbm>> -> memref<80xi32, #tpu.memory_space<hbm>>
        tpu.wait_dma2 semaphore(%run_scoped3A : memref<!tpu.dma_semaphore, #tpu.memory_space<semaphore_mem>>) src(%dma_wait3A_38 : memref<80xi32, #tpu.memory_space<hbm>>) dst(%arg6 : memref<80xi32, #tpu.memory_space<vmem>>)
        tpu.yield
      }) : () -> ()
      "tpu.region"() ({
        %run_scoped3A = tpu.sem_alloc : memref<!tpu.dma_semaphore, #tpu.memory_space<semaphore_mem>>
        %dma_start3A_35 = tpu.memref_slice %arg3[%multiple_of3A] : memref<320000xi32, #tpu.memory_space<hbm>> -> memref<80xi32, #tpu.memory_space<hbm>>
        %dma_start3A_36 = tpu.memref_slice %arg3[%multiple_of3A] : memref<320000xi32, #tpu.memory_space<hbm>> -> memref<80xi32, #tpu.memory_space<hbm>>
        tpu.enqueue_dma source(%dma_start3A_36 : memref<80xi32, #tpu.memory_space<hbm>>) target(%arg7 : memref<80xi32, #tpu.memory_space<vmem>>) target_semaphore(%run_scoped3A : memref<!tpu.dma_semaphore, #tpu.memory_space<semaphore_mem>>)
        %dma_wait3A_37 = tpu.memref_slice %arg3[%multiple_of3A] : memref<320000xi32, #tpu.memory_space<hbm>> -> memref<80xi32, #tpu.memory_space<hbm>>
        %dma_wait3A_38 = tpu.memref_slice %arg3[%multiple_of3A] : memref<320000xi32, #tpu.memory_space<hbm>> -> memref<80xi32, #tpu.memory_space<hbm>>
        tpu.wait_dma2 semaphore(%run_scoped3A : memref<!tpu.dma_semaphore, #tpu.memory_space<semaphore_mem>>) src(%dma_wait3A_38 : memref<80xi32, #tpu.memory_space<hbm>>) dst(%arg7 : memref<80xi32, #tpu.memory_space<vmem>>)
        tpu.yield
      }) : () -> ()
      %dma_start3A = arith.constant 0 : i32
      %dma_start3A_31 = arith.constant 0 : i32
      %dma_start3A_32 = tpu.memref_slice %arg4[%dma_start3A, %dma_start3A_31] : memref<10000x128xf32, #tpu.memory_space<hbm>> -> memref<10000x128xf32, #tpu.memory_space<hbm>>
      tpu.enqueue_indirect_dma source(%dma_start3A_32 : memref<10000x128xf32, #tpu.memory_space<hbm>>) target(%arg8 : memref<80x128xf32, #tpu.memory_space<vmem>>) offsets(%arg6 : memref<80xi32, #tpu.memory_space<vmem>>) semaphore(%arg11 : memref<!tpu.dma_semaphore, #tpu.memory_space<semaphore_mem>>)
      %dma_wait3A = arith.constant 0 : i32
      %dma_wait3A_33 = arith.constant 0 : i32
      %dma_wait3A_34 = tpu.memref_slice %arg4[%dma_wait3A, %dma_wait3A_33] : memref<10000x128xf32, #tpu.memory_space<hbm>> -> memref<10000x128xf32, #tpu.memory_space<hbm>>
      tpu.wait_indirect_dma semaphore(%arg11 : memref<!tpu.dma_semaphore, #tpu.memory_space<semaphore_mem>>) src(%dma_wait3A_34 : memref<10000x128xf32, #tpu.memory_space<hbm>>) dst(%arg8 : memref<80x128xf32, #tpu.memory_space<vmem>>)
      "tpu.region"() ({
        %run_scoped3A = tpu.sem_alloc : memref<!tpu.dma_semaphore, #tpu.memory_space<semaphore_mem>>
        %dma_start3A_35 = arith.constant 0 : i32
        %dma_start3A_36 = arith.constant 0 : i32
        %dma_start3A_37 = tpu.memref_slice %arg10[%dma_start3A_35, %dma_start3A_36] : memref<10240x128xf32, #tpu.memory_space<vmem_shared>> -> memref<10240x128xf32, #tpu.memory_space<vmem_shared>>
        tpu.enqueue_indirect_dma source(%arg8 : memref<80x128xf32, #tpu.memory_space<vmem>>) target(%dma_start3A_37 : memref<10240x128xf32, #tpu.memory_space<vmem_shared>>) offsets(%arg7 : memref<80xi32, #tpu.memory_space<vmem>>) semaphore(%run_scoped3A : memref<!tpu.dma_semaphore, #tpu.memory_space<semaphore_mem>>) {add = true}
        %dma_wait3A_38 = arith.constant 0 : i32
        %dma_wait3A_39 = arith.constant 0 : i32
        %dma_wait3A_40 = tpu.memref_slice %arg10[%dma_wait3A_38, %dma_wait3A_39] : memref<10240x128xf32, #tpu.memory_space<vmem_shared>> -> memref<10240x128xf32, #tpu.memory_space<vmem_shared>>
        tpu.wait_indirect_dma semaphore(%run_scoped3A : memref<!tpu.dma_semaphore, #tpu.memory_space<semaphore_mem>>) src(%arg8 : memref<80x128xf32, #tpu.memory_space<vmem>>) dst(%dma_wait3A_40 : memref<10240x128xf32, #tpu.memory_space<vmem_shared>>)
        tpu.yield
      }) : () -> ()
    }
    %scan3A_19 = arith.constant 125 : i32
    %barrier3A_20 = arith.constant 0 : index
    tpu.barrier barrier_id(%barrier3A_20)
    %scan3A_21 = arith.constant 0 : i32
    %scan3A_22 = arith.constant 0 : i32
    %scan3A_23 = arith.constant 8 : i32
    %scan3A_24 = arith.addi %scan3A_22, %scan3A_23 : i32
    %scan3A_25 = arith.constant 1 : i32
    scf.for %scan3A_27 = %scan3A_22 to %scan3A_24 step %scan3A_25  : i32 {
      %mul3A_28 = arith.constant 640 : i32
      %mul3A_29 = arith.muli %arg1, %mul3A_28 : i32
      %mul3A_30 = arith.constant 80 : i32
      %mul3A_31 = arith.muli %scan3A_27, %mul3A_30 : i32
      %add3A_32 = arith.addi %mul3A_29, %mul3A_31 : i32
      "tpu.region"() ({
        %run_scoped3A = tpu.sem_alloc : memref<!tpu.dma_semaphore, #tpu.memory_space<semaphore_mem>>
        %dma_start3A = arith.constant 0 : i32
        %dma_start3A_33 = tpu.memref_slice %arg5[%arg0, %add3A_32, %dma_start3A] : memref<2x10240x128xf32, #tpu.memory_space<hbm>> -> memref<1x80x128xf32, #tpu.memory_space<hbm>>
        %dma_start3A_34 = tpu.memref_squeeze %dma_start3A_33 : memref<1x80x128xf32, #tpu.memory_space<hbm>> -> memref<80x128xf32, #tpu.memory_space<hbm>>
        %dma_start3A_35 = arith.constant 0 : i32
        %dma_start3A_36 = tpu.memref_slice %arg10[%add3A_32, %dma_start3A_35] : memref<10240x128xf32, #tpu.memory_space<vmem_shared>> -> memref<80x128xf32, #tpu.memory_space<vmem_shared>>
        tpu.enqueue_dma source(%dma_start3A_36 : memref<80x128xf32, #tpu.memory_space<vmem_shared>>) target(%dma_start3A_34 : memref<80x128xf32, #tpu.memory_space<hbm>>) target_semaphore(%run_scoped3A : memref<!tpu.dma_semaphore, #tpu.memory_space<semaphore_mem>>)
        %dma_wait3A = arith.constant 0 : i32
        %dma_wait3A_37 = tpu.memref_slice %arg5[%arg0, %add3A_32, %dma_wait3A] : memref<2x10240x128xf32, #tpu.memory_space<hbm>> -> memref<1x80x128xf32, #tpu.memory_space<hbm>>
        %dma_wait3A_38 = tpu.memref_squeeze %dma_wait3A_37 : memref<1x80x128xf32, #tpu.memory_space<hbm>> -> memref<80x128xf32, #tpu.memory_space<hbm>>
        %dma_wait3A_39 = arith.constant 0 : i32
        %dma_wait3A_40 = tpu.memref_slice %arg10[%add3A_32, %dma_wait3A_39] : memref<10240x128xf32, #tpu.memory_space<vmem_shared>> -> memref<80x128xf32, #tpu.memory_space<vmem_shared>>
        tpu.wait_dma2 semaphore(%run_scoped3A : memref<!tpu.dma_semaphore, #tpu.memory_space<semaphore_mem>>) src(%dma_wait3A_40 : memref<80x128xf32, #tpu.memory_space<vmem_shared>>) dst(%dma_wait3A_38 : memref<80x128xf32, #tpu.memory_space<hbm>>)
        tpu.yield
      }) : () -> ()
    }
    %scan3A_26 = arith.constant 8 : i32
    return
  }
}

module attributes {stable_mosaic.version = 14 : i64} {
  func.func @body(%arg0: memref<10240x2xf32, #tpu.memory_space<vmem>>, %arg1: memref<10000x128xf32, #tpu.memory_space<vmem>>, %arg2: memref<10000x128xf32, #tpu.memory_space<vmem>>) attributes {dimension_semantics = [], scalar_prefetch = 0 : i64, scratch_operands = 0 : i64, tpu.core_type = #tpu.core_type<tc>} {
    %get3A = arith.constant 0 : index
    %get3A_0 = arith.constant 0 : index
    %get3A_1 = vector.load %arg0[%get3A, %get3A_0] : memref<10240x2xf32, #tpu.memory_space<vmem>>, vector<10240x1xf32>
    %get3A_2 = arith.constant 0 : index
    %get3A_3 = arith.constant 1 : index
    %get3A_4 = vector.load %arg0[%get3A_2, %get3A_3] : memref<10240x2xf32, #tpu.memory_space<vmem>>, vector<10240x1xf32>
    %add3A = arith.addf %get3A_1, %get3A_4 : vector<10240x1xf32>
    %max3A = arith.constant 1.000000e+00 : f32
    %max3A_5 = vector.broadcast %max3A : f32 to vector<10240x1xf32>
    %max3A_6 = arith.maximumf %add3A, %max3A_5 : vector<10240x1xf32>
    %rsqrt3A = math.rsqrt %max3A_6 : vector<10240x1xf32>
    %slice3A = vector.extract_strided_slice %rsqrt3A {offsets = [0, 0], sizes = [10000, 1], strides = [1, 1]} : vector<10240x1xf32> to vector<10000x1xf32>
    %get3A_7 = arith.constant 0 : index
    %get3A_8 = arith.constant 0 : index
    %get3A_9 = vector.load %arg1[%get3A_7, %get3A_8] : memref<10000x128xf32, #tpu.memory_space<vmem>>, vector<10000x128xf32>
    %mul3A = vector.broadcast %slice3A : vector<10000x1xf32> to vector<10000x128xf32>
    %mul3A_10 = arith.mulf %get3A_9, %mul3A : vector<10000x128xf32>
    %swap3A = arith.constant 0 : index
    %swap3A_11 = arith.constant 0 : index
    %swap3A_12 = vector.load %arg2[%swap3A, %swap3A_11] : memref<10000x128xf32, #tpu.memory_space<vmem>>, vector<10000x128xf32>
    tpu.vector_store %arg2[%swap3A, %swap3A_11], %mul3A_10 {strides = array<i32>} : memref<10000x128xf32, #tpu.memory_space<vmem>>, vector<10000x128xf32>,
    return
  }
}

module attributes {stable_mosaic.version = 14 : i64} {
  func.func @body(%arg0: memref<10240x2xf32, #tpu.memory_space<vmem>>, %arg1: memref<2x10240x128xf32, #tpu.memory_space<vmem>>, %arg2: memref<128x128xf32, #tpu.memory_space<vmem>>, %arg3: memref<128xf32, #tpu.memory_space<vmem>>, %arg4: memref<10000x128xf32, #tpu.memory_space<vmem>>) attributes {dimension_semantics = [], scalar_prefetch = 0 : i64, scratch_operands = 0 : i64, tpu.core_type = #tpu.core_type<tc>} {
    %get3A = arith.constant 0 : index
    %get3A_0 = arith.constant 0 : index
    %get3A_1 = vector.load %arg0[%get3A, %get3A_0] : memref<10240x2xf32, #tpu.memory_space<vmem>>, vector<10240x1xf32>
    %get3A_2 = arith.constant 0 : index
    %get3A_3 = arith.constant 1 : index
    %get3A_4 = vector.load %arg0[%get3A_2, %get3A_3] : memref<10240x2xf32, #tpu.memory_space<vmem>>, vector<10240x1xf32>
    %add3A = arith.addf %get3A_1, %get3A_4 : vector<10240x1xf32>
    %max3A = arith.constant 1.000000e+00 : f32
    %max3A_5 = vector.broadcast %max3A : f32 to vector<10240x1xf32>
    %max3A_6 = arith.maximumf %add3A, %max3A_5 : vector<10240x1xf32>
    %rsqrt3A = math.rsqrt %max3A_6 : vector<10240x1xf32>
    %slice3A = vector.extract_strided_slice %rsqrt3A {offsets = [0, 0], sizes = [10000, 1], strides = [1, 1]} : vector<10240x1xf32> to vector<10000x1xf32>
    %get3A_7 = arith.constant 0 : index
    %get3A_8 = arith.constant 0 : index
    %get3A_9 = arith.constant 0 : index
    %get3A_10 = vector.load %arg1[%get3A_7, %get3A_8, %get3A_9] : memref<2x10240x128xf32, #tpu.memory_space<vmem>>, vector<1x10000x128xf32>
    %get3A_11 = vector.shape_cast %get3A_10 : vector<1x10000x128xf32> to vector<10000x128xf32>
    %get3A_12 = arith.constant 1 : index
    %get3A_13 = arith.constant 0 : index
    %get3A_14 = arith.constant 0 : index
    %get3A_15 = vector.load %arg1[%get3A_12, %get3A_13, %get3A_14] : memref<2x10240x128xf32, #tpu.memory_space<vmem>>, vector<1x10000x128xf32>
    %get3A_16 = vector.shape_cast %get3A_15 : vector<1x10000x128xf32> to vector<10000x128xf32>
    %add3A_17 = arith.addf %get3A_11, %get3A_16 : vector<10000x128xf32>
    %mul3A = vector.broadcast %slice3A : vector<10000x1xf32> to vector<10000x128xf32>
    %mul3A_18 = arith.mulf %add3A_17, %mul3A : vector<10000x128xf32>
    %get3A_19 = arith.constant 0 : index
    %get3A_20 = arith.constant 0 : index
    %get3A_21 = vector.load %arg2[%get3A_19, %get3A_20] : memref<128x128xf32, #tpu.memory_space<vmem>>, vector<128x128xf32>
    %dot_general3A = arith.constant dense<0.000000e+00> : vector<10000x128xf32>
    %dot_general3A_22 = tpu.matmul %mul3A_18, %get3A_21, %dot_general3A {dimension_numbers = #tpu.dot_dimension_numbers<[1], [1], [0], [0], [0, 0, 1, 0], [], []>, transpose_lhs_hint = false} : vector<10000x128xf32>, vector<128x128xf32>, vector<10000x128xf32> -> vector<10000x128xf32>
    %get3A_23 = arith.constant 0 : index
    %get3A_24 = vector.load %arg3[%get3A_23] : memref<128xf32, #tpu.memory_space<vmem>>, vector<128xf32>
    %broadcast_in_dim3A = vector.shape_cast %get3A_24 : vector<128xf32> to vector<1x128xf32>
    %add3A_25 = vector.broadcast %broadcast_in_dim3A : vector<1x128xf32> to vector<10000x128xf32>
    %add3A_26 = arith.addf %dot_general3A_22, %add3A_25 : vector<10000x128xf32>
    %swap3A = arith.constant 0 : index
    %swap3A_27 = arith.constant 0 : index
    %swap3A_28 = vector.load %arg4[%swap3A, %swap3A_27] : memref<10000x128xf32, #tpu.memory_space<vmem>>, vector<10000x128xf32>
    tpu.vector_store %arg4[%swap3A, %swap3A_27], %add3A_26 {strides = array<i32>} : memref<10000x128xf32, #tpu.memory_space<vmem>>, vector<10000x128xf32>,
    return
  }
}

</mosaic_0001>

<sc_bundles>
// kernel: kernel.6.cloned.1.call-start
scs
__scs_entry_jumppad:
0x0: {  	(pc) =	sbr.rel $0x88, $3  }
0x1: {  	(tag) =	ssettag $0x0;
	lr =	simm.s32 $0x1  }
0x2: {  	[smem:$0x3F9D] =	sst lr;
	_ =	strace $0xD0000000  }
0x3: {  	_ = 	snop  }
0x4: {  	_ = 	snop  }
0x5: {  	_ = 	snop  }
0x6: {  	_ = 	snop  }
0x7: {  	_ = 	snop  }
__scs_overlays_trampoline_lowered:
0x8: {  	[smem:$0x3FAC] =	sst s0  }
0x9: {  	[smem:$0x3FAD] =	sst s1  }
0xa: {  	[smem:$0x3FAE] =	sst s2  }
0xb: {  	[smem:$0x3FAF] =	sst s3  }
0xc: {  	[smem:$0x3FB0] =	sst s4  }
0xd: {  	[smem:$0x3FB1] =	sst s5  }
0xe: {  	[smem:$0x3FB2] =	sst s6  }
0xf: {  	[smem:$0x3FB3] =	sst s7  }
0x10: {  	[smem:$0x3FB4] =	sst s8  }
0x11: {  	[smem:$0x3FB5] =	sst s9;
	s0 =	simm.s32 @!p0 $0x0  }
0x12: {  	s1 =	sld [smem:$0x3F9B];
	s0 =	simm.s32 @p0 $0x1  }
0x13: {  	[smem:$0x3FB6] =	sst s0;
	s0 =	simm.s32 @!p1 $0x0  }
0x14: {  	s2 =	sld [smem:$0x3F9A];
	s0 =	simm.s32 @p1 $0x1  }
0x15: {  	[smem:$0x3FB7] =	sst s0;
	s0 =	simm.s32 @!p2 $0x0  }
0x16: {  	s3 =	sld [smem:$0x3FDB];
	s0 =	simm.s32 @p2 $0x1  }
0x17: {  	s4 =	simm.s32 $0x1BF5;
	[smem:$0x3FB9] =	sst s0  }
0x18: {  	s0 =	sld [smem:$0x3F9C];
	_ =	swait.ge [sflag:s4], $0x0  }
0x19: {  	s7 =	sld [smem:$0x3F9D]  }
0x1a: {  	s8 =	sadd.s32 $0xFFFFE003, lr  }
0x1b: {  	s9 =	sadd.s32 $0xFFFFFEF7, lr;
	s5 =	simm.s32 $0xFFFFFFFF;
	p2 =	slt.u32 s8, $0xFFFFF086  }
0x1c: {  	p1 =	slt.u32 s9, $0xF7A;
	s5 =	simm.s32 @!p2 $0x0  }
0x1d: {  	s5 =	simm.s32 @p1 $0x1;
	p0 =	seq.s32 s7, s2  }
0x1e: {  	s7 =	smul.u32 @!p0 $0xF7A, s2;
	p2 =	seq.s32 @!p0 s5, $0x0  }
0x1f: {  	s9 =	smul.u32 $0xF7A, s1;
	s8 =	simm.s32 @!p0 $0x1BF5;
	p2 =	por !p2, p0  }
0x20: {  	[sflag:s8] =	ssyncset.s32 @!p0 $0xFFFFF086;
	s6 =	sadd.s32 @!p0 s3, s7;
	s7 =	simm.s32 @!p0 $0x108  }
0x21: {  	s3 =	sadd.s32 s3, s9;
	s6 =	sadd.s32 @!p0 $0x88, s6;
	s7 =	simm.s32 @p2 $0x1082  }
0x22: {  	[simem:s7], [sflag:s8] =	dma.local @!p0 [hbm:s6], $0xF7A  }
0x23: {  	s9 =	sor.u32 $0xD0000000, s2;
	s6 =	simm.s32 $0x108;
	_ =	swait.ge @!p0 [sflag:s8], $0x0  }
0x24: {  	s3 =	sadd.s32 $0x88, s3;
	s6 =	simm.s32 @!p1 $0x1082;
	[sflag:s4] =	ssyncset.s32 $0xFFFFF086  }
0x25: {  	[simem:s6], [sflag:s4] =	dma.local [hbm:s3], $0xF7A  }
0x26: {  	[smem:$0x3F9D] =	sst s1;
	(tag) =	ssettag s2;
	_ =	strace s9  }
0x27: {  	s1 =	sld [smem:$0x3FAD]  }
0x28: {  	s2 =	sld [smem:$0x3FAE]  }
0x29: {  	s4 =	sld [smem:$0x3FB0]  }
0x2a: {  	p0 =	seq.s32 s5, $0x0;
	s5 =	sld [smem:$0x3FB1]  }
0x2b: {  	s6 =	sld [smem:$0x3FB2]  }
0x2c: {  	s7 =	sld [smem:$0x3FB3]  }
0x2d: {  	s3 =	simm.s32 $0x108;
	s8 =	sld [smem:$0x3FB4]  }
0x2e: {  	s3 =	simm.s32 @!p0 $0x1082;
	s9 =	sld [smem:$0x3FB5]  }
0x2f: {  	lr =	sadd.s32 s0, s3;
	s0 =	sld [smem:$0x3FAC]  }
0x30: {  	s3 =	sld [smem:$0x3FAF]  }
0x31: {  	[smem:$0x3FB8] =	sst s10  }
0x32: {  	s10 =	sld [smem:$0x3FB6];
	_ =	sdelay $0x3  }
0x33: {  	p0 =	seq.s32 s10, $0x1;
	s10 =	sld [smem:$0x3FB8];
	_ =	sdelay $0x3  }
0x34: {  	[smem:$0x3FB8] =	sst s10  }
0x35: {  	s10 =	sld [smem:$0x3FB7];
	_ =	sdelay $0x3  }
0x36: {  	p1 =	seq.s32 s10, $0x1;
	s10 =	sld [smem:$0x3FB8];
	_ =	sdelay $0x3  }
0x37: {  	[smem:$0x3FB8] =	sst s10  }
0x38: {  	s10 =	sld [smem:$0x3FB9]  }
0x39: {  	_ = 	snop;
	(pc) =	sbr.ind lr, $3  }
0x3a: {  	_ = 	snop  }
0x3b: {  	_ = 	snop  }
0x3c: {  	p2 =	seq.s32 s10, $0x1;
	s10 =	sld [smem:$0x3FB8]  }
0x3d: {  	_ =	shalt  }
0x3e: {  	_ =	shalt  }
0x3f: {  	_ =	shalt  }
0x40: {  	_ =	shalt  }
0x41: {  	_ =	shalt  }
0x42: {  	_ =	shalt  }
0x43: {  	_ =	shalt  }
0x44: {  	_ =	shalt  }
0x45: {  	_ =	shalt  }
0x46: {  	_ =	shalt  }
0x47: {  	_ =	shalt  }
0x48: {  	_ =	shalt  }
0x49: {  	_ =	shalt  }
0x4a: {  	_ =	shalt  }
0x4b: {  	_ =	shalt  }
0x4c: {  	_ =	shalt  }
0x4d: {  	_ =	shalt  }
0x4e: {  	_ =	shalt  }
0x4f: {  	_ =	shalt  }
0x50: {  	_ =	shalt  }
0x51: {  	_ =	shalt  }
0x52: {  	_ =	shalt  }
0x53: {  	_ =	shalt  }
0x54: {  	_ =	shalt  }
0x55: {  	_ =	shalt  }
0x56: {  	_ =	shalt  }
0x57: {  	_ =	shalt  }
0x58: {  	_ =	shalt  }
0x59: {  	_ =	shalt  }
0x5a: {  	_ =	shalt  }
0x5b: {  	_ =	shalt  }
0x5c: {  	_ =	shalt  }
0x5d: {  	_ =	shalt  }
0x5e: {  	_ =	shalt  }
0x5f: {  	_ =	shalt  }
0x60: {  	_ =	shalt  }
0x61: {  	_ =	shalt  }
0x62: {  	_ =	shalt  }
0x63: {  	_ =	shalt  }
0x64: {  	_ =	shalt  }
0x65: {  	_ =	shalt  }
0x66: {  	_ =	shalt  }
0x67: {  	_ =	shalt  }
0x68: {  	_ =	shalt  }
0x69: {  	_ =	shalt  }
0x6a: {  	_ =	shalt  }
0x6b: {  	_ =	shalt  }
0x6c: {  	_ =	shalt  }
0x6d: {  	_ =	shalt  }
0x6e: {  	_ =	shalt  }
0x6f: {  	_ =	shalt  }
0x70: {  	_ =	shalt  }
0x71: {  	_ =	shalt  }
0x72: {  	_ =	shalt  }
0x73: {  	_ =	shalt  }
0x74: {  	_ =	shalt  }
0x75: {  	_ =	shalt  }
0x76: {  	_ =	shalt  }
0x77: {  	_ =	shalt  }
0x78: {  	_ =	shalt  }
0x79: {  	_ =	shalt  }
0x7a: {  	_ =	shalt  }
0x7b: {  	_ =	shalt  }
0x7c: {  	_ =	shalt  }
0x7d: {  	_ =	shalt  }
0x7e: {  	_ =	shalt  }
0x7f: {  	_ =	shalt  }
0x80: {  	_ =	shalt  }
0x81: {  	_ =	shalt  }
0x82: {  	_ =	shalt  }
0x83: {  	_ =	shalt  }
0x84: {  	_ =	shalt  }
0x85: {  	_ =	shalt  }
0x86: {  	_ =	shalt  }
0x87: {  	_ =	shalt  }
.Lfunc_end0:
.L_simem_size_0:
called_computation_lowered:
.L_overlay_start_0:
0x88: {  	s2 =	sld [smem:$0x3FD9]  }
0x89: {  	s3 =	sld [smem:$0x3FFE];
	_ =	sdelay $0x1  }
0x8a: {  	s1 =	srdreg.scid  }
0x8b: {  	s0 =	sand.u32 $0x1, s1  }
0x8c: {  	s17 =	sshll.u32 s0, $0xA;
	s2 =	sadd.s32 s3, s2  }
0x8d: {  	s2 =	sadd.s32 s2, s17  }
0x8e: {  	[smem:$0x3FC4] =	sst s2  }
0x8f: {  	_ = 	snop  }
0x90: {  	s2 =	sld [smem:$0x3FD0];
	(tm) =	ssettm $0x1  }
0x91: {  	s18 =	sld [smem:$0x3FFB];
	_ =	sdelay $0x3  }
0x92: {  	_ =	strace s18  }
0x93: {  	s3 =	sld [smem:$0x3FFC];
	_ =	sdelay $0x3  }
0x94: {  	_ =	strace s3  }
0x95: {  	s3 =	sld [smem:$0x3FFD];
	_ =	sdelay $0x3  }
0x96: {  	_ =	strace s3  }
0x97: {  	_ =	strace $0x8FFFFFFF  }
0x98: {  	s19 =	sld [smem:$0x3FDB];
	_ =	sdelay $0x1  }
0x99: {  	s4 =	simm.s32 $_scs_section_size  }
0x9a: {  	s5 =	simm.s32 $_size__tile_overlayer_lowered;
	s6 =	simm.s32 $_tile_overlayer_lowered  }
0x9b: {  	s22 =	simm.s32 $0x1BFF;
	s21 =	sshll.u32 s6, $0x1;
	s3 =	sadd.s32 s4, s19  }
0x9c: {  	s7 =	simm.s32 $0x0;
	s20 =	sshll.u32 s5, $0x1;
	s5 =	sadd.s32 s21, s3  }
0x9d: {  	[timem:s7], [sflag:s22] =	dma.local [hbm:s5], s20  }
0x9e: {  	_ =	swait.ge [sflag:s22], s20  }
0x9f: {  	s4 =	ssub.s32 $0x0, s20;
	[sflag:s22] =	ssyncset.done $0x0  }
0xa0: {  	[sflag:s22] =	ssyncadd.s32 s4;
	_ =	sdelay $0x1  }
0xa1: {  	s23 =	simm.s32 $0x1B8B  }
0xa2: {  	_ =	swait.ge [sflag:s23], $0x1  }
0xa3: {  	[sflag:s23] =	ssyncset.done $0x0  }
0xa4: {  	s25 =	simm.s32 $0x1B8E;
	s24 =	sld [smem:$0x3FFE];
	[sflag:s23] =	ssyncadd.s32 $0xFFFFFFFF  }
0xa5: {  	s26 =	simm.s32 $execute0_lowered;
	[smem:$0x3FD2] =	sst s25  }
0xa6: {  	s5 =	sshll.u32 s26, $0x1;
	_ =	strace $0x80000046;
	[dreg:$0x1] =	wrdreg $0xFFFFFFFF  }
0xa7: {  	s28 =	simm.s32 $_size_execute0_lowered;
	s3 =	sadd.s32 s3, s5;
	[dreg:$0x0] =	wrdreg $0x0  }
0xa8: {  	s5 =	sshll.u32 s28, $0x1;
	[dreg:$0x2] =	wrdreg s3  }
0xa9: {  	[dreg:$0x3] =	wrdreg s5  }
0xaa: {  	[dreg:$0x4] =	wrdreg $0xC0  }
0xab: {  	_ =	task [dreg:s7], $0x5FFFF  }
0xac: {  	[dreg:$0x1] =	wrdreg $0xFFFFFFFF  }
0xad: {  	[dreg:$0x0] =	wrdreg $0x60  }
0xae: {  	[dreg:$0x2] =	wrdreg s24  }
0xaf: {  	[dreg:$0x3] =	wrdreg s2  }
0xb0: {  	[dreg:$0x4] =	wrdreg $0x3800  }
0xb1: {  	[dreg:$0x5] =	wrdreg $0x9  }
0xb2: {  	_ =	task.clear_ibuf [dreg:s7], $0x6FFFF;
	_ =	strace $0x90000046  }
0xb3: {  	s29 =	simm.s32 $0x9;
	_ =	strace $0x80000048  }
0xb4: {  	_ =	swait.ge [sflag:s29], $0x1  }
0xb5: {  	[sflag:s29] =	ssyncadd.s32 $0xFFFFFFFF  }
0xb6: {  	_ =	strace $0x90000048  }
0xb7: {  	_ =	sfence  }
0xb8: {  	s30 =	sld [smem:$0x0];
	_ =	sdelay $0x2  }
0xb9: {  	s31 =	sshll.u32 s1, $0xD;
	s1 =	sshrl.u32 s1, $0x2  }
0xba: {  	s3 =	sand.u32 $0x4000, s31;
	s1 =	sadd.s32 s1, s30  }
0xbb: {  	s0 =	sor.u32 s3, s0;
	s1 =	sshll.u32 s1, $0x11  }
0xbc: {  	s0 =	sor.u32 s1, s0  }
0xbd: {  	s0 =	sadd.s32 $0x8F2B, s0  }
0xbe: {  	[sflag:s0] =	ssyncadd.remote.s32 $0x1  }
0xbf: {  	_ =	sfence.sel $0xFFFF  }
0xc0: {  	[dreg:$0x0] =	wrdreg $0xFFFFFFFF;
	(pc) =	sbr.abs _section_cstart, $3  }
0xc1: {  	[dreg:$0x1] =	wrdreg $0xFFFFFFFF  }
0xc2: {  	_ =	task.clear_ibuf [dreg:s7], $0x2FFFF;
	_ =	strace $0x9FFFFFFF  }
0xc3: {  	(tm) =	ssettm $0x7FFFFFFF  }
tec
execute0_lowered:
.L_overlay_start_1:
0x0: {  	(tag) =	ssettag $0x1  }
0x1: {  	s4 =	rddreg [dreg:$0x0]  }
0x2: {  	s5 =	rddreg [dreg:$0x1];
	s1 =	srdreg.scid  }
0x3: {  	s0 =	stileid.u32;
	s2 =	rddreg [dreg:$0x2]  }
0x4: {  	s3 =	simm.s32 $0x0;
	s11 =	simm.s32 $0x80;
	s14 =	simm.s32 $0x20  }
0x5: {  	s15 =	simm.s32 $0x10;
	s16 =	simm.s32 $0x0;
	s7 =	smul.u32 $0x4E20, s0  }
0x6: {  	s6 =	sand.u32 $0x1, s1;
	s1 =	rddreg [dreg:$0x3];
	s28 =	smul.u32 $0x500, s0  }
0x7: {  	[smem:$0x7FF] =	sst s3;
	s9 =	smul.u32 $0xA00, s0;
	s12 =	sshll.u32 s0, $0x6  }
0x8: {  	s8 =	smul.u32 $0x2710, s6;
	_ =	strace $0x80000047;
	s10 =	sshll.u32 s6, $0x7  }
0x9: {  	s29 =	ssub.s32 $0x2, s6;
	s12 =	sor.u32 $0x1C01, s12;
	s30 =	sor.u32 s10, s28  }
0xa: {  	s31 =	sshrl.u32 s29, $0x1;
	s9 =	sshrl.u32 s9, $0x2;
	s10 =	simm.s32 $0x50  }
0xb: {  	s7 =	sadd.s32 s8, s7;
	s6 =	sshrl.u32 s30, $0x3;
	s8 =	ssub.s32 s29, s31  }
0xc: {  	s7 =	sshrl.u32 s7, $0x3;
	s5 =	sadd.s32 s5, s6;
	s6 =	smax.u32 s8, $0x1  }
0xd: {  	s8 =	simm.s32 $0x100;
	s7 =	sadd.s32 s7, s4;
	s4 =	sadd.s32 s9, s2  }
0xe: {  	v0 =	vimm.f32 $0.0e+00;
	v1 =	vimm.f32 $1.000000000e+00;
	s9 =	simm.s32 $0x1;
	s7 =	sadd.s32 $0xAE00, s7;
	s13 =	sshrl.u32 s4, $0x3  }
.LBB2_1:
0xf: {  	[tilespmem:$0x100] =	vst v0  }
0x10: {  	[tilespmem:$0x110] =	vst v0  }
0x11: {  	[tilespmem:$0x120] =	vst v0  }
0x12: {  	[tilespmem:$0x130] =	vst v0  }
0x13: {  	[tilespmem:$0x140] =	vst v0  }
0x14: {  	[tilespmem:$0x150] =	vst v0  }
0x15: {  	[tilespmem:$0x160] =	vst v0  }
0x16: {  	[tilespmem:$0x170] =	vst v0  }
0x17: {  	[tilespmem:$0x180] =	vst v0  }
0x18: {  	[tilespmem:$0x190] =	vst v0  }
0x19: {  	[tilespmem:$0x1A0] =	vst v0  }
0x1a: {  	[tilespmem:$0x1B0] =	vst v0  }
0x1b: {  	[tilespmem:$0x1C0] =	vst v0  }
0x1c: {  	[tilespmem:$0x1D0] =	vst v0  }
0x1d: {  	[tilespmem:$0x1E0] =	vst v0  }
0x1e: {  	[tilespmem:$0x1F0] =	vst v0  }
0x1f: {  	[tilespmem:$0x200] =	vst v0  }
0x20: {  	[tilespmem:$0x210] =	vst v0  }
0x21: {  	[tilespmem:$0x220] =	vst v0  }
0x22: {  	[tilespmem:$0x230] =	vst v0  }
0x23: {  	[tilespmem:$0x240] =	vst v0  }
0x24: {  	[tilespmem:$0x250] =	vst v0  }
0x25: {  	[tilespmem:$0x260] =	vst v0  }
0x26: {  	[tilespmem:$0x270] =	vst v0  }
0x27: {  	[tilespmem:$0x280] =	vst v0  }
0x28: {  	[tilespmem:$0x290] =	vst v0  }
0x29: {  	[tilespmem:$0x2A0] =	vst v0  }
0x2a: {  	[tilespmem:$0x2B0] =	vst v0  }
0x2b: {  	[tilespmem:$0x2C0] =	vst v0  }
0x2c: {  	[tilespmem:$0x2D0] =	vst v0  }
0x2d: {  	[tilespmem:$0x2E0] =	vst v0  }
0x2e: {  	[tilespmem:$0x2F0] =	vst v0  }
0x2f: {  	[tilespmem:$0x300] =	vst v0  }
0x30: {  	[tilespmem:$0x310] =	vst v0  }
0x31: {  	[tilespmem:$0x320] =	vst v0  }
0x32: {  	[tilespmem:$0x330] =	vst v0  }
0x33: {  	[tilespmem:$0x340] =	vst v0  }
0x34: {  	[tilespmem:$0x350] =	vst v0  }
0x35: {  	[tilespmem:$0x360] =	vst v0  }
0x36: {  	[tilespmem:$0x370] =	vst v0  }
0x37: {  	[tilespmem:$0x80] =	vst v1  }
0x38: {  	[tilespmem:$0x90] =	vst v1  }
0x39: {  	[tilespmem:$0xA0] =	vst v1  }
0x3a: {  	[tilespmem:$0xB0] =	vst v1  }
0x3b: {  	[tilespmem:$0xC0] =	vst v1  }
0x3c: {  	[spmem:s4] =	stream.linear.scatter [tilespmem:s8], [sflag:$0x1], $0x280, $0x38;
	[tilespmem:$0x600] =	vst v63  }
0x3d: {  	_ =	swait.ge [sflag:s9], $0x280  }
0x3e: {  	[sflag:s9] =	ssyncset.done $0x0  }
0x3f: {  	[sflag:s9] =	ssyncadd.s32 $0xFFFFFD80  }
0x40: {  	s17 =	sadd.s32 $0x0, s7;
	[bflag:$0x0] =	sbarrier.arrive $0xFFFF  }
0x41: {  	[tilespmem:s3], [sflag:$0x1] =	stream.linear.gather [hbm4b:s17+s3], $0x50, $0x38;
	[tilespmem:$0x600] =	vst v63  }
0x42: {  	_ =	swait.ge [sflag:s9], $0x50  }
0x43: {  	[sflag:s9] =	ssyncset.done $0x0  }
0x44: {  	[sflag:s9] =	ssyncadd.s32 $0xFFFFFFB0  }
0x45: {  	[spmem:s2] =	stream.indirect.scatter.add.f32 [tilespmem:s11], [sflag:$0x1], $0x1, s3, s10, $0xb8;
	[tilespmem:$0x600] =	vst v63  }
0x46: {  	_ =	swait.ge [sflag:s9], $0x50  }
0x47: {  	s18 =	simm.s32 $0x14;
	s17 =	simm.s32 $0xA;
	[sflag:s9] =	ssyncset.done $0x0  }
.LBB2_2:
0x48: {  	s19 =	sadd.s32 s17, s7  }
0x49: {  	[sflag:s9] =	ssyncadd.s32 $0xFFFFFFB0;
	s17 =	smov.u32 s18;
	s20 =	sadd.s32 $0xA, s18  }
0x4a: {  	[tilespmem:s3], [sflag:$0x1] =	stream.linear.gather [hbm4b:s19+s3], $0x50, $0x38;
	[tilespmem:$0x600] =	vst v63  }
0x4b: {  	p0 =	sne.s32 s18, $0x4D8;
	_ =	swait.ge [sflag:s9], $0x50  }
.Ltmp0:
0x4c: {  	[sflag:s9] =	ssyncset.done $0x0;
	(pc) =	sbr.rel @p0 .LBB2_2-.Ltmp0, $4  }
0x4d: {  	[sflag:s9] =	ssyncadd.s32 $0xFFFFFFB0  }
0x4e: {  	[spmem:s2] =	stream.indirect.scatter.add.f32 [tilespmem:s11], [sflag:$0x1], $0x1, s3, s10, $0xb8;
	[tilespmem:$0x600] =	vst v63  }
0x4f: {  	_ =	swait.ge [sflag:s9], $0x50  }
0x50: {  	s18 =	smov.u32 s20;
	[sflag:s9] =	ssyncset.done $0x0  }
0x51: {  	s17 =	sadd.s32 s17, s7;
	[sflag:s9] =	ssyncadd.s32 $0xFFFFFFB0  }
0x52: {  	[tilespmem:s3], [sflag:$0x1] =	stream.linear.gather [hbm4b:s17+s3], $0x50, $0x38;
	[tilespmem:$0x600] =	vst v63  }
0x53: {  	_ =	swait.ge [sflag:s9], $0x50  }
0x54: {  	[sflag:s9] =	ssyncset.done $0x0  }
0x55: {  	[sflag:s9] =	ssyncadd.s32 $0xFFFFFFB0  }
0x56: {  	[spmem:s2] =	stream.indirect.scatter.add.f32 [tilespmem:s11], [sflag:$0x1], $0x1, s3, s10, $0xb8;
	[tilespmem:$0x600] =	vst v63  }
0x57: {  	_ =	swait.ge [sflag:s9], $0x50  }
0x58: {  	s16 =	sadd.s32 $0x1, s16;
	[sflag:s9] =	ssyncset.done $0x0  }
0x59: {  	p0 =	sne.s32 s16, s6;
	[sflag:s9] =	ssyncadd.s32 $0xFFFFFFB0  }
.Ltmp1:
0x5a: {  	[bflag:$0x0] =	sbarrier.arrive $0xFFFF;
	(pc) =	sbr.rel @p0 .LBB2_1-.Ltmp1, $4  }
0x5b: {  	[hbm:s5@s14], [sflag:s12] =	dma.strided [spmem:s13@s15], $0x50, s9, $0x10   }
0x5c: {  	_ =	swait.ge [sflag:s9], $0x50  }
0x5d: {  	[sflag:s9] =	ssyncset.done $0x0  }
0x5e: {  	[sflag:s9] =	ssyncadd.s32 $0xFFFFFFB0  }
0x5f: {  	_ =	sfence.sel $0x180000  }
0x60: {  	[bflag:$0x0] =	sbarrier.arrive $0xFFFF  }
0x61: {  	p0 =	sne.s32 s0, $0x0;
	_ =	strace $0x90000047  }
0x62: {  	s0 =	sadd.s32 @!p0 $0x100000, s1;
	[bflag:$0x2] =	sbarrier.arrive $0xFFFF  }
0x63: {  	[sflag:s0] =	ssyncadd.tile.s32 @!p0 $0x1;
	_ =	shalt  }
.Lfunc_end2:
_tile_overlayer_lowered:
.L_overlay_start_2:
0x64: {  	(tag) =	ssettag $0x2  }
0x65: {  	s0 =	rddreg [dreg:$0x0];
	s2 =	stileid.u32  }
0x66: {  	s1 =	rddreg [dreg:$0x1];
	p0 =	sne.s32 s2, $0x0  }
0x67: {  	s3 =	rddreg [dreg:$0x2];
	[bflag:$0x3] =	sbarrier.arrive $0xFFFF;
	s2 =	simm.s32 @!p0 $0x1C01  }
0x68: {  	[timem:s3], [sflag:s2] =	dma.local @!p0 [hbm:s0], s1  }
0x69: {  	s0 =	simm.s32 @!p0 $0x1  }
0x6a: {  	_ =	swait.ge @!p0 [sflag:s0], s1  }
0x6b: {  	s1 =	ssub.s32 @!p0 $0x0, s1;
	[sflag:s0] =	ssyncset.done @!p0 $0x0  }
0x6c: {  	[sflag:s0] =	ssyncadd.s32 @!p0 s1  }
0x6d: {  	[bflag:$0x3] =	sbarrier.arrive $0xFFFF  }
0x6e: {  	_ =	shalt  }

// kernel: kernel.9.cloned.1.call-start
scs
__scs_entry_jumppad:
0x0: {  	(pc) =	sbr.rel $0x88, $3  }
0x1: {  	(tag) =	ssettag $0x0;
	lr =	simm.s32 $0x1  }
0x2: {  	[smem:$0x3F9D] =	sst lr;
	_ =	strace $0xD0000000  }
0x3: {  	_ = 	snop  }
0x4: {  	_ = 	snop  }
0x5: {  	_ = 	snop  }
0x6: {  	_ = 	snop  }
0x7: {  	_ = 	snop  }
__scs_overlays_trampoline_lowered:
0x8: {  	[smem:$0x3FAC] =	sst s0  }
0x9: {  	[smem:$0x3FAD] =	sst s1  }
0xa: {  	[smem:$0x3FAE] =	sst s2  }
0xb: {  	[smem:$0x3FAF] =	sst s3  }
0xc: {  	[smem:$0x3FB0] =	sst s4  }
0xd: {  	[smem:$0x3FB1] =	sst s5  }
0xe: {  	[smem:$0x3FB2] =	sst s6  }
0xf: {  	[smem:$0x3FB3] =	sst s7  }
0x10: {  	[smem:$0x3FB4] =	sst s8  }
0x11: {  	[smem:$0x3FB5] =	sst s9;
	s0 =	simm.s32 @!p0 $0x0  }
0x12: {  	s1 =	sld [smem:$0x3F9B];
	s0 =	simm.s32 @p0 $0x1  }
0x13: {  	[smem:$0x3FB6] =	sst s0;
	s0 =	simm.s32 @!p1 $0x0  }
0x14: {  	s2 =	sld [smem:$0x3F9A];
	s0 =	simm.s32 @p1 $0x1  }
0x15: {  	[smem:$0x3FB7] =	sst s0;
	s0 =	simm.s32 @!p2 $0x0  }
0x16: {  	s3 =	sld [smem:$0x3FDB];
	s0 =	simm.s32 @p2 $0x1  }
0x17: {  	s4 =	simm.s32 $0x1BF5;
	[smem:$0x3FB9] =	sst s0  }
0x18: {  	s0 =	sld [smem:$0x3F9C];
	_ =	swait.ge [sflag:s4], $0x0  }
0x19: {  	s7 =	sld [smem:$0x3F9D]  }
0x1a: {  	s8 =	sadd.s32 $0xFFFFE003, lr  }
0x1b: {  	s9 =	sadd.s32 $0xFFFFFEF7, lr;
	s5 =	simm.s32 $0xFFFFFFFF;
	p2 =	slt.u32 s8, $0xFFFFF086  }
0x1c: {  	p1 =	slt.u32 s9, $0xF7A;
	s5 =	simm.s32 @!p2 $0x0  }
0x1d: {  	s5 =	simm.s32 @p1 $0x1;
	p0 =	seq.s32 s7, s2  }
0x1e: {  	s7 =	smul.u32 @!p0 $0xF7A, s2;
	p2 =	seq.s32 @!p0 s5, $0x0  }
0x1f: {  	s9 =	smul.u32 $0xF7A, s1;
	s8 =	simm.s32 @!p0 $0x1BF5;
	p2 =	por !p2, p0  }
0x20: {  	[sflag:s8] =	ssyncset.s32 @!p0 $0xFFFFF086;
	s6 =	sadd.s32 @!p0 s3, s7;
	s7 =	simm.s32 @!p0 $0x108  }
0x21: {  	s3 =	sadd.s32 s3, s9;
	s6 =	sadd.s32 @!p0 $0x88, s6;
	s7 =	simm.s32 @p2 $0x1082  }
0x22: {  	[simem:s7], [sflag:s8] =	dma.local @!p0 [hbm:s6], $0xF7A  }
0x23: {  	s9 =	sor.u32 $0xD0000000, s2;
	s6 =	simm.s32 $0x108;
	_ =	swait.ge @!p0 [sflag:s8], $0x0  }
0x24: {  	s3 =	sadd.s32 $0x88, s3;
	s6 =	simm.s32 @!p1 $0x1082;
	[sflag:s4] =	ssyncset.s32 $0xFFFFF086  }
0x25: {  	[simem:s6], [sflag:s4] =	dma.local [hbm:s3], $0xF7A  }
0x26: {  	[smem:$0x3F9D] =	sst s1;
	(tag) =	ssettag s2;
	_ =	strace s9  }
0x27: {  	s1 =	sld [smem:$0x3FAD]  }
0x28: {  	s2 =	sld [smem:$0x3FAE]  }
0x29: {  	s4 =	sld [smem:$0x3FB0]  }
0x2a: {  	p0 =	seq.s32 s5, $0x0;
	s5 =	sld [smem:$0x3FB1]  }
0x2b: {  	s6 =	sld [smem:$0x3FB2]  }
0x2c: {  	s7 =	sld [smem:$0x3FB3]  }
0x2d: {  	s3 =	simm.s32 $0x108;
	s8 =	sld [smem:$0x3FB4]  }
0x2e: {  	s3 =	simm.s32 @!p0 $0x1082;
	s9 =	sld [smem:$0x3FB5]  }
0x2f: {  	lr =	sadd.s32 s0, s3;
	s0 =	sld [smem:$0x3FAC]  }
0x30: {  	s3 =	sld [smem:$0x3FAF]  }
0x31: {  	[smem:$0x3FB8] =	sst s10  }
0x32: {  	s10 =	sld [smem:$0x3FB6];
	_ =	sdelay $0x3  }
0x33: {  	p0 =	seq.s32 s10, $0x1;
	s10 =	sld [smem:$0x3FB8];
	_ =	sdelay $0x3  }
0x34: {  	[smem:$0x3FB8] =	sst s10  }
0x35: {  	s10 =	sld [smem:$0x3FB7];
	_ =	sdelay $0x3  }
0x36: {  	p1 =	seq.s32 s10, $0x1;
	s10 =	sld [smem:$0x3FB8];
	_ =	sdelay $0x3  }
0x37: {  	[smem:$0x3FB8] =	sst s10  }
0x38: {  	s10 =	sld [smem:$0x3FB9]  }
0x39: {  	_ = 	snop;
	(pc) =	sbr.ind lr, $3  }
0x3a: {  	_ = 	snop  }
0x3b: {  	_ = 	snop  }
0x3c: {  	p2 =	seq.s32 s10, $0x1;
	s10 =	sld [smem:$0x3FB8]  }
0x3d: {  	_ =	shalt  }
0x3e: {  	_ =	shalt  }
0x3f: {  	_ =	shalt  }
0x40: {  	_ =	shalt  }
0x41: {  	_ =	shalt  }
0x42: {  	_ =	shalt  }
0x43: {  	_ =	shalt  }
0x44: {  	_ =	shalt  }
0x45: {  	_ =	shalt  }
0x46: {  	_ =	shalt  }
0x47: {  	_ =	shalt  }
0x48: {  	_ =	shalt  }
0x49: {  	_ =	shalt  }
0x4a: {  	_ =	shalt  }
0x4b: {  	_ =	shalt  }
0x4c: {  	_ =	shalt  }
0x4d: {  	_ =	shalt  }
0x4e: {  	_ =	shalt  }
0x4f: {  	_ =	shalt  }
0x50: {  	_ =	shalt  }
0x51: {  	_ =	shalt  }
0x52: {  	_ =	shalt  }
0x53: {  	_ =	shalt  }
0x54: {  	_ =	shalt  }
0x55: {  	_ =	shalt  }
0x56: {  	_ =	shalt  }
0x57: {  	_ =	shalt  }
0x58: {  	_ =	shalt  }
0x59: {  	_ =	shalt  }
0x5a: {  	_ =	shalt  }
0x5b: {  	_ =	shalt  }
0x5c: {  	_ =	shalt  }
0x5d: {  	_ =	shalt  }
0x5e: {  	_ =	shalt  }
0x5f: {  	_ =	shalt  }
0x60: {  	_ =	shalt  }
0x61: {  	_ =	shalt  }
0x62: {  	_ =	shalt  }
0x63: {  	_ =	shalt  }
0x64: {  	_ =	shalt  }
0x65: {  	_ =	shalt  }
0x66: {  	_ =	shalt  }
0x67: {  	_ =	shalt  }
0x68: {  	_ =	shalt  }
0x69: {  	_ =	shalt  }
0x6a: {  	_ =	shalt  }
0x6b: {  	_ =	shalt  }
0x6c: {  	_ =	shalt  }
0x6d: {  	_ =	shalt  }
0x6e: {  	_ =	shalt  }
0x6f: {  	_ =	shalt  }
0x70: {  	_ =	shalt  }
0x71: {  	_ =	shalt  }
0x72: {  	_ =	shalt  }
0x73: {  	_ =	shalt  }
0x74: {  	_ =	shalt  }
0x75: {  	_ =	shalt  }
0x76: {  	_ =	shalt  }
0x77: {  	_ =	shalt  }
0x78: {  	_ =	shalt  }
0x79: {  	_ =	shalt  }
0x7a: {  	_ =	shalt  }
0x7b: {  	_ =	shalt  }
0x7c: {  	_ =	shalt  }
0x7d: {  	_ =	shalt  }
0x7e: {  	_ =	shalt  }
0x7f: {  	_ =	shalt  }
0x80: {  	_ =	shalt  }
0x81: {  	_ =	shalt  }
0x82: {  	_ =	shalt  }
0x83: {  	_ =	shalt  }
0x84: {  	_ =	shalt  }
0x85: {  	_ =	shalt  }
0x86: {  	_ =	shalt  }
0x87: {  	_ =	shalt  }
.Lfunc_end0:
.L_simem_size_0:
called_computation.1_lowered:
.L_overlay_start_0:
0x88: {  	s2 =	sld [smem:$0x3FD9]  }
0x89: {  	s3 =	sld [smem:$0x3FFE];
	_ =	sdelay $0x1  }
0x8a: {  	s1 =	srdreg.scid  }
0x8b: {  	s0 =	sand.u32 $0x1, s1  }
0x8c: {  	s17 =	sshll.u32 s0, $0xA;
	s2 =	sadd.s32 s3, s2  }
0x8d: {  	s2 =	sadd.s32 s2, s17  }
0x8e: {  	[smem:$0x3FC4] =	sst s2  }
0x8f: {  	_ = 	snop  }
0x90: {  	s2 =	sld [smem:$0x3FD0];
	(tm) =	ssettm $0x1  }
0x91: {  	s18 =	sld [smem:$0x3FFB];
	_ =	sdelay $0x3  }
0x92: {  	_ =	strace s18  }
0x93: {  	s3 =	sld [smem:$0x3FFC];
	_ =	sdelay $0x3  }
0x94: {  	_ =	strace s3  }
0x95: {  	s3 =	sld [smem:$0x3FFD];
	_ =	sdelay $0x3  }
0x96: {  	_ =	strace s3  }
0x97: {  	_ =	strace $0x8FFFFFFF  }
0x98: {  	s19 =	sld [smem:$0x3FDB];
	_ =	sdelay $0x1  }
0x99: {  	s4 =	simm.s32 $_scs_section_size  }
0x9a: {  	s5 =	simm.s32 $_size__tile_overlayer_lowered;
	s6 =	simm.s32 $_tile_overlayer_lowered  }
0x9b: {  	s22 =	simm.s32 $0x1BFF;
	s21 =	sshll.u32 s6, $0x1;
	s3 =	sadd.s32 s4, s19  }
0x9c: {  	s7 =	simm.s32 $0x0;
	s20 =	sshll.u32 s5, $0x1;
	s5 =	sadd.s32 s21, s3  }
0x9d: {  	[timem:s7], [sflag:s22] =	dma.local [hbm:s5], s20  }
0x9e: {  	_ =	swait.ge [sflag:s22], s20  }
0x9f: {  	s4 =	ssub.s32 $0x0, s20;
	[sflag:s22] =	ssyncset.done $0x0  }
0xa0: {  	[sflag:s22] =	ssyncadd.s32 s4;
	_ =	sdelay $0x1  }
0xa1: {  	s23 =	simm.s32 $0x1B8B  }
0xa2: {  	_ =	swait.ge [sflag:s23], $0x1  }
0xa3: {  	[sflag:s23] =	ssyncset.done $0x0  }
0xa4: {  	s25 =	simm.s32 $0x1B8E;
	s24 =	sld [smem:$0x3FFE];
	[sflag:s23] =	ssyncadd.s32 $0xFFFFFFFF  }
0xa5: {  	s26 =	simm.s32 $execute0_lowered;
	[smem:$0x3FD2] =	sst s25  }
0xa6: {  	s5 =	sshll.u32 s26, $0x1;
	_ =	strace $0x80000049;
	[dreg:$0x1] =	wrdreg $0xFFFFFFFF  }
0xa7: {  	s28 =	simm.s32 $_size_execute0_lowered;
	s3 =	sadd.s32 s3, s5;
	[dreg:$0x0] =	wrdreg $0x0  }
0xa8: {  	s5 =	sshll.u32 s28, $0x1;
	[dreg:$0x2] =	wrdreg s3  }
0xa9: {  	[dreg:$0x3] =	wrdreg s5  }
0xaa: {  	[dreg:$0x4] =	wrdreg $0xC0  }
0xab: {  	_ =	task [dreg:s7], $0x5FFFF  }
0xac: {  	[dreg:$0x1] =	wrdreg $0xFFFFFFFF  }
0xad: {  	[dreg:$0x0] =	wrdreg $0x60  }
0xae: {  	[dreg:$0x2] =	wrdreg s24  }
0xaf: {  	[dreg:$0x3] =	wrdreg s2  }
0xb0: {  	[dreg:$0x4] =	wrdreg $0x51000  }
0xb1: {  	[dreg:$0x5] =	wrdreg $0x9  }
0xb2: {  	_ =	task.clear_ibuf [dreg:s7], $0x6FFFF;
	_ =	strace $0x90000049  }
0xb3: {  	s29 =	simm.s32 $0x9;
	_ =	strace $0x8000004B  }
0xb4: {  	_ =	swait.ge [sflag:s29], $0x1  }
0xb5: {  	[sflag:s29] =	ssyncadd.s32 $0xFFFFFFFF  }
0xb6: {  	_ =	strace $0x9000004B  }
0xb7: {  	_ =	sfence  }
0xb8: {  	s30 =	sld [smem:$0x0];
	_ =	sdelay $0x2  }
0xb9: {  	s31 =	sshll.u32 s1, $0xD;
	s1 =	sshrl.u32 s1, $0x2  }
0xba: {  	s3 =	sand.u32 $0x4000, s31;
	s1 =	sadd.s32 s1, s30  }
0xbb: {  	s0 =	sor.u32 s3, s0;
	s1 =	sshll.u32 s1, $0x11  }
0xbc: {  	s0 =	sor.u32 s1, s0  }
0xbd: {  	s0 =	sadd.s32 $0x8F2B, s0  }
0xbe: {  	[sflag:s0] =	ssyncadd.remote.s32 $0x1  }
0xbf: {  	_ =	sfence.sel $0xFFFF  }
0xc0: {  	[dreg:$0x0] =	wrdreg $0xFFFFFFFF;
	(pc) =	sbr.abs _section_cstart, $3  }
0xc1: {  	[dreg:$0x1] =	wrdreg $0xFFFFFFFF  }
0xc2: {  	_ =	task.clear_ibuf [dreg:s7], $0x2FFFF;
	_ =	strace $0x9FFFFFFF  }
0xc3: {  	(tm) =	ssettm $0x7FFFFFFF  }
tec
execute0_lowered:
.L_overlay_start_1:
0x0: {  	(tag) =	ssettag $0x1  }
0x1: {  	s0 =	rddreg [dreg:$0x0]  }
0x2: {  	s1 =	srdreg.scid;
	s7 =	stileid.u32  }
0x3: {  	s2 =	rddreg [dreg:$0x1];
	s5 =	smul.u32 $0x4E20, s7  }
0x4: {  	s3 =	rddreg [dreg:$0x2];
	s4 =	simm.s32 $0x0;
	s13 =	smul.u32 $0x14000, s7  }
0x5: {  	s28 =	simm.s32 $0x50;
	s1 =	sand.u32 $0x1, s1;
	s7 =	smul.u32 $0x50000, s7  }
0x6: {  	s29 =	simm.s32 $0x100;
	s30 =	simm.s32 $0x1;
	s6 =	smul.u32 $0x2710, s1  }
0x7: {  	[smem:$0x7FF] =	sst s4;
	s19 =	smul.u32 $0x140000, s1;
	s1 =	ssub.s32 $0x2, s1  }
0x8: {  	s31 =	simm.s32 $0x0;
	_ =	strace $0x8000004A;
	s20 =	sshrl.u32 s1, $0x1  }
0x9: {  	s24 =	sshrl.u32 s7, $0x2;
	s25 =	sor.u32 $0x2800, s13;
	s16 =	sadd.s32 $0x5000, s13  }
0xa: {  	s17 =	sadd.s32 $0x7800, s13;
	s18 =	sadd.s32 $0xA000, s13;
	s5 =	sadd.s32 s6, s5  }
0xb: {  	s21 =	sadd.s32 s19, s13;
	s1 =	ssub.s32 s1, s20;
	s7 =	sadd.s32 s24, s3  }
0xc: {  	s8 =	sadd.s32 s25, s3;
	s9 =	sadd.s32 s16, s3;
	s10 =	sadd.s32 s17, s3  }
0xd: {  	s20 =	sadd.s32 $0xC800, s13;
	s11 =	sadd.s32 s18, s3;
	s26 =	sadd.s32 s19, s16  }
0xe: {  	s6 =	sadd.s32 s19, s18;
	s5 =	sshrl.u32 s5, $0x3;
	s22 =	sshrl.u32 s21, $0x3  }
0xf: {  	s1 =	smax.u32 s1, $0x1;
	s12 =	sadd.s32 s20, s3;
	s21 =	sadd.s32 $0xF000, s13  }
0x10: {  	s24 =	sshrl.u32 s6, $0x3;
	s23 =	sadd.s32 s5, s0;
	s0 =	sadd.s32 $0x14C00, s0  }
0x11: {  	[dreg:$0x5] =	wrdreg s1;
	s1 =	sadd.s32 s19, s25;
	s25 =	sadd.s32 s19, s21  }
0x12: {  	s5 =	sadd.s32 s0, s22;
	s22 =	sadd.s32 $0x11800, s13;
	s1 =	sshrl.u32 s1, $0x3  }
0x13: {  	s13 =	sadd.s32 s21, s3;
	s18 =	sadd.s32 s0, s24;
	s24 =	sadd.s32 s19, s20  }
0x14: {  	s20 =	sshrl.u32 s25, $0x3;
	s25 =	simm.s32 $0x2;
	[dreg:$0x4] =	wrdreg s5  }
0x15: {  	s14 =	sadd.s32 s22, s3;
	s1 =	sadd.s32 s0, s1;
	s5 =	sadd.s32 s19, s17  }
0x16: {  	s19 =	sadd.s32 s19, s22;
	s20 =	sadd.s32 s0, s20;
	s22 =	sadd.s32 $0xAE00, s23  }
0x17: {  	s23 =	sadd.s32 $0x1000, s23;
	[dreg:$0x6] =	wrdreg s1;
	s1 =	sshrl.u32 s26, $0x3  }
0x18: {  	s15 =	sshrl.u32 s5, $0x3;
	s26 =	sshrl.u32 s19, $0x3;
	s16 =	sadd.s32 s0, s1  }
0x19: {  	s17 =	sadd.s32 s0, s15;
	s1 =	sshrl.u32 s24, $0x3;
	s21 =	sadd.s32 s0, s26  }
0x1a: {  	v0 =	vimm.f32 $0.0e+00;
	s24 =	simm.s32 $0x2900;
	s26 =	simm.s32 $0x80;
	s19 =	sadd.s32 s0, s1  }
.LBB2_1:
0x1b: {  	s1 =	simm.s32 $0x0;
	s0 =	simm.s32 $0x200  }
.LBB2_2:
0x1c: {  	p0 =	sne.s32 s0, $0x9E00;
	[tilespmem:s1+$0x2970] =	vst v0  }
0x1d: {  	[tilespmem:s1+$0x2900] =	vst v0  }
0x1e: {  	[tilespmem:s1+$0x2910] =	vst v0  }
.Ltmp0:
0x1f: {  	[tilespmem:s1+$0x2920] =	vst v0;
	(pc) =	sbr.rel @p0 .LBB2_2-.Ltmp0, $4  }
0x20: {  	[tilespmem:s1+$0x2930] =	vst v0  }
0x21: {  	[tilespmem:s1+$0x2940] =	vst v0  }
0x22: {  	[tilespmem:s1+$0x2950] =	vst v0  }
0x23: {  	[tilespmem:s1+$0x2960] =	vst v0;
	s1 =	sshra.s32 s0, $0x2;
	s0 =	sadd.s32 $0x200, s0  }
0x24: {  	[tilespmem:s1+$0x2970] =	vst v0  }
0x25: {  	[tilespmem:s1+$0x2900] =	vst v0  }
0x26: {  	[tilespmem:s1+$0x2910] =	vst v0  }
0x27: {  	[tilespmem:s1+$0x2920] =	vst v0  }
0x28: {  	[tilespmem:s1+$0x2930] =	vst v0  }
0x29: {  	[tilespmem:s1+$0x2940] =	vst v0  }
0x2a: {  	[tilespmem:s1+$0x2950] =	vst v0  }
0x2b: {  	[tilespmem:s1+$0x2960] =	vst v0  }
0x2c: {  	[spmem:s7] =	stream.linear.scatter [tilespmem:s24], [sflag:$0x2], $0x2800, $0x38;
	[tilespmem:$0x19100] =	vst v63  }
0x2d: {  	_ =	swait.ge [sflag:s25], $0x2800  }
0x2e: {  	[sflag:s25] =	ssyncset.done $0x0  }
0x2f: {  	[sflag:s25] =	ssyncadd.s32 $0xFFFFD800  }
0x30: {  	[spmem:s8] =	stream.linear.scatter [tilespmem:s24], [sflag:$0x2], $0x2800, $0x38;
	[tilespmem:$0x19100] =	vst v63  }
0x31: {  	_ =	swait.ge [sflag:s25], $0x2800  }
0x32: {  	[sflag:s25] =	ssyncset.done $0x0  }
0x33: {  	[sflag:s25] =	ssyncadd.s32 $0xFFFFD800  }
0x34: {  	[spmem:s9] =	stream.linear.scatter [tilespmem:s24], [sflag:$0x2], $0x2800, $0x38;
	[tilespmem:$0x19100] =	vst v63  }
0x35: {  	_ =	swait.ge [sflag:s25], $0x2800  }
0x36: {  	[sflag:s25] =	ssyncset.done $0x0  }
0x37: {  	[sflag:s25] =	ssyncadd.s32 $0xFFFFD800  }
0x38: {  	[spmem:s10] =	stream.linear.scatter [tilespmem:s24], [sflag:$0x2], $0x2800, $0x38;
	[tilespmem:$0x19100] =	vst v63  }
0x39: {  	_ =	swait.ge [sflag:s25], $0x2800  }
0x3a: {  	[sflag:s25] =	ssyncset.done $0x0  }
0x3b: {  	[sflag:s25] =	ssyncadd.s32 $0xFFFFD800  }
0x3c: {  	[spmem:s11] =	stream.linear.scatter [tilespmem:s24], [sflag:$0x2], $0x2800, $0x38;
	[tilespmem:$0x19100] =	vst v63  }
0x3d: {  	_ =	swait.ge [sflag:s25], $0x2800  }
0x3e: {  	[sflag:s25] =	ssyncset.done $0x0  }
0x3f: {  	[sflag:s25] =	ssyncadd.s32 $0xFFFFD800  }
0x40: {  	[spmem:s12] =	stream.linear.scatter [tilespmem:s24], [sflag:$0x2], $0x2800, $0x38;
	[tilespmem:$0x19100] =	vst v63  }
0x41: {  	_ =	swait.ge [sflag:s25], $0x2800  }
0x42: {  	[sflag:s25] =	ssyncset.done $0x0  }
0x43: {  	[sflag:s25] =	ssyncadd.s32 $0xFFFFD800  }
0x44: {  	[spmem:s13] =	stream.linear.scatter [tilespmem:s24], [sflag:$0x2], $0x2800, $0x38;
	[tilespmem:$0x19100] =	vst v63  }
0x45: {  	_ =	swait.ge [sflag:s25], $0x2800  }
0x46: {  	[sflag:s25] =	ssyncset.done $0x0  }
0x47: {  	[sflag:s25] =	ssyncadd.s32 $0xFFFFD800  }
0x48: {  	[spmem:s14] =	stream.linear.scatter [tilespmem:s24], [sflag:$0x2], $0x2800, $0x38;
	[tilespmem:$0x19100] =	vst v63  }
0x49: {  	_ =	swait.ge [sflag:s25], $0x2800  }
0x4a: {  	[sflag:s25] =	ssyncset.done $0x0  }
0x4b: {  	[sflag:s25] =	ssyncadd.s32 $0xFFFFD800  }
0x4c: {  	s0 =	sadd.s32 $0x0, s23;
	[bflag:$0x0] =	sbarrier.arrive $0xFFFF  }
0x4d: {  	[tilespmem:s4], [sflag:$0x2] =	stream.linear.gather [hbm4b:s0+s4], $0x50, $0x38;
	[tilespmem:$0x19100] =	vst v63  }
0x4e: {  	_ =	swait.ge [sflag:s25], $0x50  }
0x4f: {  	[sflag:s25] =	ssyncset.done $0x0  }
0x50: {  	s15 =	sadd.s32 $0x0, s22;
	[sflag:s25] =	ssyncadd.s32 $0xFFFFFFB0  }
0x51: {  	[tilespmem:s26], [sflag:$0x2] =	stream.linear.gather [hbm4b:s15+s4], $0x50, $0x38;
	[tilespmem:$0x19100] =	vst v63  }
0x52: {  	_ =	swait.ge [sflag:s25], $0x50  }
0x53: {  	[sflag:s25] =	ssyncset.done $0x0  }
0x54: {  	[sflag:s25] =	ssyncadd.s32 $0xFFFFFFB0  }
0x55: {  	[tilespmem:s29], [sflag:$0x1] =	stream.indirect.gather [hbm4b:s2+s28], $0x80, s4, s28, $0xb8;
	[tilespmem:$0x19100] =	vst v63  }
0x56: {  	_ =	swait.ge [sflag:s30], $0x2800  }
0x57: {  	[sflag:s30] =	ssyncset.done $0x0  }
0x58: {  	[sflag:s30] =	ssyncadd.s32 $0xFFFFD800  }
0x59: {  	[spmem:s3] =	stream.indirect.scatter.add.f32 [tilespmem:s29], [sflag:$0x2], $0x80, s26, s28, $0xb8;
	[tilespmem:$0x19100] =	vst v63  }
0x5a: {  	_ =	swait.ge [sflag:s25], $0x2800  }
0x5b: {  	s1 =	simm.s32 $0xA;
	s0 =	simm.s32 $0x14;
	[sflag:s25] =	ssyncset.done $0x0  }
.LBB2_4:
0x5c: {  	s5 =	sadd.s32 s1, s23  }
0x5d: {  	[sflag:s25] =	ssyncadd.s32 $0xFFFFD800;
	s6 =	smov.u32 s0;
	s15 =	sadd.s32 $0xA, s0  }
0x5e: {  	[tilespmem:s4], [sflag:$0x2] =	stream.linear.gather [hbm4b:s5+s4], $0x50, $0x38;
	[tilespmem:$0x19100] =	vst v63  }
0x5f: {  	p0 =	sne.s32 s0, $0x4D8;
	_ =	swait.ge [sflag:s25], $0x50  }
0x60: {  	[sflag:s25] =	ssyncset.done $0x0  }
0x61: {  	s0 =	sadd.s32 s1, s22;
	s1 =	smov.u32 s6;
	[sflag:s25] =	ssyncadd.s32 $0xFFFFFFB0  }
0x62: {  	[tilespmem:s26], [sflag:$0x2] =	stream.linear.gather [hbm4b:s0+s4], $0x50, $0x38;
	[tilespmem:$0x19100] =	vst v63  }
0x63: {  	_ =	swait.ge [sflag:s25], $0x50  }
0x64: {  	[sflag:s25] =	ssyncset.done $0x0  }
0x65: {  	[sflag:s25] =	ssyncadd.s32 $0xFFFFFFB0  }
0x66: {  	[tilespmem:s29], [sflag:$0x1] =	stream.indirect.gather [hbm4b:s2+s28], $0x80, s4, s28, $0xb8;
	[tilespmem:$0x19100] =	vst v63  }
0x67: {  	_ =	swait.ge [sflag:s30], $0x2800  }
.Ltmp1:
0x68: {  	[sflag:s30] =	ssyncset.done $0x0;
	(pc) =	sbr.rel @p0 .LBB2_4-.Ltmp1, $4  }
0x69: {  	[sflag:s30] =	ssyncadd.s32 $0xFFFFD800  }
0x6a: {  	[spmem:s3] =	stream.indirect.scatter.add.f32 [tilespmem:s29], [sflag:$0x2], $0x80, s26, s28, $0xb8;
	[tilespmem:$0x19100] =	vst v63  }
0x6b: {  	_ =	swait.ge [sflag:s25], $0x2800  }
0x6c: {  	s0 =	smov.u32 s15;
	[sflag:s25] =	ssyncset.done $0x0  }
0x6d: {  	s0 =	sadd.s32 s1, s23;
	[sflag:s25] =	ssyncadd.s32 $0xFFFFD800  }
0x6e: {  	[tilespmem:s4], [sflag:$0x2] =	stream.linear.gather [hbm4b:s0+s4], $0x50, $0x38;
	[tilespmem:$0x19100] =	vst v63  }
0x6f: {  	_ =	swait.ge [sflag:s25], $0x50  }
0x70: {  	[sflag:s25] =	ssyncset.done $0x0  }
0x71: {  	s5 =	sadd.s32 s1, s22;
	[sflag:s25] =	ssyncadd.s32 $0xFFFFFFB0  }
0x72: {  	[tilespmem:s26], [sflag:$0x2] =	stream.linear.gather [hbm4b:s5+s4], $0x50, $0x38;
	[tilespmem:$0x19100] =	vst v63  }
0x73: {  	_ =	swait.ge [sflag:s25], $0x50  }
0x74: {  	[sflag:s25] =	ssyncset.done $0x0  }
0x75: {  	[sflag:s25] =	ssyncadd.s32 $0xFFFFFFB0  }
0x76: {  	[tilespmem:s29], [sflag:$0x1] =	stream.indirect.gather [hbm4b:s2+s28], $0x80, s4, s28, $0xb8;
	[tilespmem:$0x19100] =	vst v63  }
0x77: {  	_ =	swait.ge [sflag:s30], $0x2800  }
0x78: {  	[sflag:s30] =	ssyncset.done $0x0  }
0x79: {  	[sflag:s30] =	ssyncadd.s32 $0xFFFFD800  }
0x7a: {  	[spmem:s3] =	stream.indirect.scatter.add.f32 [tilespmem:s29], [sflag:$0x2], $0x80, s26, s28, $0xb8;
	[tilespmem:$0x19100] =	vst v63  }
0x7b: {  	_ =	swait.ge [sflag:s25], $0x2800  }
0x7c: {  	[sflag:s25] =	ssyncset.done $0x0  }
0x7d: {  	s6 =	stileid.u32;
	[sflag:s25] =	ssyncadd.s32 $0xFFFFD800  }
0x7e: {  	s0 =	sshll.u32 s6, $0x6;
	[bflag:$0x0] =	sbarrier.arrive $0xFFFF  }
0x7f: {  	s15 =	sshrl.u32 s7, $0x3;
	s0 =	sor.u32 $0x1C02, s0;
	s5 =	rddreg [dreg:$0x4]  }
0x80: {  	[hbm:s5], [sflag:s0] =	dma.local [spmem:s15], $0x500  }
0x81: {  	_ =	swait.ge [sflag:s25], $0x500  }
0x82: {  	[sflag:s25] =	ssyncset.done $0x0  }
0x83: {  	s5 =	sshrl.u32 s8, $0x3;
	s6 =	rddreg [dreg:$0x6];
	[sflag:s25] =	ssyncadd.s32 $0xFFFFFB00  }
0x84: {  	[hbm:s6], [sflag:s0] =	dma.local [spmem:s5], $0x500  }
0x85: {  	_ =	swait.ge [sflag:s25], $0x500  }
0x86: {  	[sflag:s25] =	ssyncset.done $0x0  }
0x87: {  	s15 =	sshrl.u32 s9, $0x3;
	[sflag:s25] =	ssyncadd.s32 $0xFFFFFB00  }
0x88: {  	[hbm:s16], [sflag:s0] =	dma.local [spmem:s15], $0x500  }
0x89: {  	_ =	swait.ge [sflag:s25], $0x500  }
0x8a: {  	[sflag:s25] =	ssyncset.done $0x0  }
0x8b: {  	s5 =	sshrl.u32 s10, $0x3;
	[sflag:s25] =	ssyncadd.s32 $0xFFFFFB00  }
0x8c: {  	[hbm:s17], [sflag:s0] =	dma.local [spmem:s5], $0x500  }
0x8d: {  	_ =	swait.ge [sflag:s25], $0x500  }
0x8e: {  	[sflag:s25] =	ssyncset.done $0x0  }
0x8f: {  	s6 =	sshrl.u32 s11, $0x3;
	[sflag:s25] =	ssyncadd.s32 $0xFFFFFB00  }
0x90: {  	[hbm:s18], [sflag:s0] =	dma.local [spmem:s6], $0x500  }
0x91: {  	_ =	swait.ge [sflag:s25], $0x500  }
0x92: {  	[sflag:s25] =	ssyncset.done $0x0  }
0x93: {  	s15 =	sshrl.u32 s12, $0x3;
	[sflag:s25] =	ssyncadd.s32 $0xFFFFFB00  }
0x94: {  	[hbm:s19], [sflag:s0] =	dma.local [spmem:s15], $0x500  }
0x95: {  	_ =	swait.ge [sflag:s25], $0x500  }
0x96: {  	[sflag:s25] =	ssyncset.done $0x0  }
0x97: {  	s5 =	sshrl.u32 s13, $0x3;
	[sflag:s25] =	ssyncadd.s32 $0xFFFFFB00  }
0x98: {  	[hbm:s20], [sflag:s0] =	dma.local [spmem:s5], $0x500  }
0x99: {  	_ =	swait.ge [sflag:s25], $0x500  }
0x9a: {  	[sflag:s25] =	ssyncset.done $0x0  }
0x9b: {  	s6 =	sshrl.u32 s14, $0x3;
	[sflag:s25] =	ssyncadd.s32 $0xFFFFFB00  }
0x9c: {  	[hbm:s21], [sflag:s0] =	dma.local [spmem:s6], $0x500  }
0x9d: {  	_ =	swait.ge [sflag:s25], $0x500  }
0x9e: {  	s31 =	sadd.s32 $0x1, s31;
	s15 =	rddreg [dreg:$0x5]  }
0x9f: {  	p0 =	sne.s32 s31, s15  }
.Ltmp2:
0xa0: {  	_ = 	snop;
	(pc) =	sbr.rel @p0 .LBB2_1-.Ltmp2, $3  }
0xa1: {  	_ =	sdelay $0x1  }
0xa2: {  	[sflag:s25] =	ssyncset.done $0x0  }
0xa3: {  	[sflag:s25] =	ssyncadd.s32 $0xFFFFFB00  }
0xa4: {  	_ =	sfence.sel $0x180000  }
0xa5: {  	[bflag:$0x0] =	sbarrier.arrive $0xFFFF  }
0xa6: {  	_ =	strace $0x9000004A  }
0xa7: {  	s0 =	stileid.u32;
	[bflag:$0x2] =	sbarrier.arrive $0xFFFF  }
0xa8: {  	p0 =	sne.s32 s0, $0x0;
	s0 =	rddreg [dreg:$0x3]  }
0xa9: {  	s0 =	sadd.s32 @!p0 $0x100000, s0  }
0xaa: {  	[sflag:s0] =	ssyncadd.tile.s32 @!p0 $0x1;
	_ =	shalt  }
.Lfunc_end2:
_tile_overlayer_lowered:
.L_overlay_start_2:
0xab: {  	(tag) =	ssettag $0x2  }
0xac: {  	s0 =	rddreg [dreg:$0x0];
	s2 =	stileid.u32  }
0xad: {  	s1 =	rddreg [dreg:$0x1];
	p0 =	sne.s32 s2, $0x0  }
0xae: {  	s3 =	rddreg [dreg:$0x2];
	[bflag:$0x3] =	sbarrier.arrive $0xFFFF;
	s2 =	simm.s32 @!p0 $0x1C02  }
0xaf: {  	[timem:s3], [sflag:s2] =	dma.local @!p0 [hbm:s0], s1  }
0xb0: {  	s0 =	simm.s32 @!p0 $0x2  }
0xb1: {  	_ =	swait.ge @!p0 [sflag:s0], s1  }
0xb2: {  	s1 =	ssub.s32 @!p0 $0x0, s1;
	[sflag:s0] =	ssyncset.done @!p0 $0x0  }
0xb3: {  	[sflag:s0] =	ssyncadd.s32 @!p0 s1  }
0xb4: {  	[bflag:$0x3] =	sbarrier.arrive $0xFFFF  }
0xb5: {  	_ =	shalt  }

</sc_bundles>
